<compile_context>
chip_gen: v7x
topology: tpu7x:2x2x1
jax: 0.10.2.dev20260603
libtpu: 0.0.44.dev20260713+nightly
codegen_flags: <defaults>
</compile_context>

<pallas_src>
import functools

import jax
import jax.numpy as jnp
from jax import lax
from jax.experimental import pallas as pl
from jax.experimental.pallas import tpu as pltpu
from jax.experimental.pallas import tpu_sc as plsc

N = 10000
E = 160000
D = 256
R = 16
NBASE = 4
HALF = 128
NSC = 2
NTILES = 16
EPT = E // NTILES
CH = 80
NCH = EPT // CH
ZROWS_PT = 624
ZTAIL = N - NTILES * ZROWS_PT

BN = 10000
NB = N // BN


def _xw_body(wc_ref, x_ref, basis_ref, out_ref, wall_ref):
    i = pl.program_id(0)
    r = pl.program_id(1)

    @pl.when(i == 0)
    def _():
        w = (wc_ref[0, 0, 0] * basis_ref[0]
             + wc_ref[0, 0, 1] * basis_ref[1]
             + wc_ref[0, 0, 2] * basis_ref[2]
             + wc_ref[0, 0, 3] * basis_ref[3])
        wall_ref[r] = w.astype(jnp.bfloat16)

    h = jnp.dot(x_ref[...], wall_ref[r],
                preferred_element_type=jnp.float32)
    for c in range(NSC):
        out_ref[c] = h[:, c * HALF:(c + 1) * HALF]


def _compute_xw(x, basis, w_comp):
    return pl.pallas_call(
        _xw_body,
        grid=(NB, R),
        in_specs=[
            pl.BlockSpec((1, 1, NBASE), lambda i, r: (r, 0, 0)),
            pl.BlockSpec((BN, D), lambda i, r: (i, 0)),
            pl.BlockSpec((NBASE, D, D), lambda i, r: (0, 0, 0)),
        ],
        out_specs=pl.BlockSpec(
            (NSC, BN, HALF), lambda i, r: (0, r * NB + i, 0)),
        out_shape=jax.ShapeDtypeStruct((NSC, R * N, HALF), jnp.float32),
        scratch_shapes=[pltpu.VMEM((R, D, D), jnp.bfloat16)],
    )(w_comp.reshape(R, 1, NBASE), x.astype(jnp.bfloat16),
      basis.astype(jnp.bfloat16))


_sc_mesh = plsc.VectorSubcoreMesh(core_axis_name="c", subcore_axis_name="s")


@functools.partial(
    pl.kernel,
    out_type=jax.ShapeDtypeStruct((NSC, N, HALF), jnp.float32),
    mesh=_sc_mesh,
    scratch_types=[
        pltpu.VMEM((EPT,), jnp.int32),
        pltpu.VMEM((EPT,), jnp.int32),
        pltpu.VMEM((2, CH, HALF), jnp.float32),
        pltpu.VMEM_SHARED((N, HALF), jnp.float32),
        pltpu.SemaphoreType.DMA,
        pltpu.SemaphoreType.DMA,
    ],
)
def _sc_scatter(xw_hbm, eid_hbm, dst_hbm, out_hbm,
                dst_v, gid_v, rows_v, agg_sh, sem0, sem1):
    c = lax.axis_index("c")
    s = lax.axis_index("s")

    pltpu.sync_copy(eid_hbm.at[s], gid_v)
    pltpu.sync_copy(dst_hbm.at[s], dst_v)

    def zfill_body(k, _):
        def lane_body(j, _):
            rows_v[0, k, pl.ds(j * 16, 16)] = jnp.zeros((16,), jnp.float32)
            return 0
        lax.fori_loop(0, HALF // 16, lane_body, 0)
        return 0

    lax.fori_loop(0, CH, zfill_body, 0)
    base_row = s * ZROWS_PT
    for off, nrows in ((0, 80), (80, 80), (160, 80), (240, 80),
                       (320, 80), (400, 80), (480, 80), (560, 64)):
        pltpu.sync_copy(rows_v.at[0, pl.ds(0, nrows)],
                        agg_sh.at[pl.ds(base_row + off, nrows)])

    @pl.when(s == NTILES - 1)
    def _():
        pltpu.sync_copy(rows_v.at[0, pl.ds(0, ZTAIL)],
                        agg_sh.at[pl.ds(NTILES * ZROWS_PT, ZTAIL)])

    base = c * (R * N)

    def idx_body(j, _):
        sl = pl.ds(j * 16, 16)
        gid_v[sl] = gid_v[sl] + base
        return 0

    lax.fori_loop(0, EPT // 16, idx_body, 0)
    plsc.subcore_barrier()

    sems = (sem0, sem1)

    def gather(k, buf):
        return pltpu.make_async_copy(
            xw_hbm.at[gid_v.at[pl.ds(k * CH, CH)]], rows_v.at[buf],
            sems[buf])

    def scatter(k, buf):
        pltpu.sync_copy(rows_v.at[buf],
                        agg_sh.at[dst_v.at[pl.ds(k * CH, CH)]], add=True)

    gather(0, 0).start()
    gather(1, 1).start()

    def main_body(g, _):
        k0 = 2 * g
        gather(k0, 0).wait()
        scatter(k0, 0)
        gather(k0 + 2, 0).start()

        k1 = k0 + 1
        gather(k1, 1).wait()
        scatter(k1, 1)

        @pl.when(k1 + 2 < NCH)
        def _():
            gather(k1 + 2, 1).start()
        return 0

    lax.fori_loop(0, (NCH - 1) // 2, main_body, 0)
    klast = NCH - 1
    gather(klast, 0).wait()
    scatter(klast, 0)

    plsc.subcore_barrier()

    pltpu.sync_copy(agg_sh.at[pl.ds(s * ZROWS_PT, ZROWS_PT)],
                    out_hbm.at[c, pl.ds(s * ZROWS_PT, ZROWS_PT)])

    @pl.when(s == NTILES - 1)
    def _():
        pltpu.sync_copy(agg_sh.at[pl.ds(NTILES * ZROWS_PT, ZTAIL)],
                        out_hbm.at[c, pl.ds(NTILES * ZROWS_PT, ZTAIL)])


def _mlp_body(a0_ref, a1_ref, x_ref, lw_ref, hb_ref,
              w1_ref, b1_ref, w2_ref, b2_ref, out_ref):
    agg = jnp.concatenate([a0_ref[0], a1_ref[0]], axis=1)
    h = agg + jnp.dot(x_ref[...], lw_ref[...],
                      preferred_element_type=jnp.float32) + hb_ref[...]
    h = jnp.maximum(
        jnp.dot(h, w1_ref[...], preferred_element_type=jnp.float32)
        + b1_ref[...], 0.0)
    out_ref[...] = jnp.maximum(
        jnp.dot(h, w2_ref[...], preferred_element_type=jnp.float32)
        + b2_ref[...], 0.0)


def _mlp(agg, x, loop_weight, h_bias, W1, b1, W2, b2):
    mat = lambda: pl.BlockSpec((D, D), lambda i: (0, 0))
    vec = lambda: pl.BlockSpec((1, D), lambda i: (0, 0))
    ah = lambda c: pl.BlockSpec((1, BN, HALF), lambda i, c=c: (c, i, 0))
    return pl.pallas_call(
        _mlp_body,
        grid=(NB,),
        in_specs=[
            ah(0), ah(1),
            pl.BlockSpec((BN, D), lambda i: (i, 0)),
            mat(), vec(), mat(), vec(), mat(), vec(),
        ],
        out_specs=pl.BlockSpec((BN, D), lambda i: (i, 0)),
        out_shape=jax.ShapeDtypeStruct((N, D), jnp.float32),
    )(agg, agg, x, loop_weight, h_bias.reshape(1, D), W1,
      b1.reshape(1, D), W2, b2.reshape(1, D))


def kernel(x, edge_index, etypes, basis, w_comp, loop_weight, h_bias,
           W1, b1, W2, b2):
    xw = _compute_xw(x, basis, w_comp).reshape(NSC * R * N, HALF)
    eid2 = (etypes * N + edge_index[0]).reshape(NTILES, EPT)
    dst2 = edge_index[1].reshape(NTILES, EPT)
    agg = _sc_scatter(xw, eid2, dst2)
    return _mlp(agg, x, loop_weight, h_bias, W1, b1, W2, b2)

# --- scband reference (transcript-rebuilt; emitter-appended) ---
"""Pipeline reference for scband-model-88278757802151 (READ-ONLY COPY).

The authoritative reference and input builder live on the scoring server;
editing this copy changes nothing except your own understanding.
"""

import jax, jax.numpy as jnp
import numpy as np

N_NODES = 10000
N_EDGES = 160000
D = 256
NUM_RELS = 16
NUM_BASES = 4


def setup_inputs(seed: int = 0) -> dict:
    key = jax.random.key(seed)
    ks = jax.random.split(key, 12)
    s = 1.0 / np.sqrt(float(D))
    inp = {}
    inp["x"] = jax.random.normal(ks[0], (N_NODES, D), dtype=jnp.float32)
    inp["edge_index"] = jax.random.randint(ks[1], (2, N_EDGES), 0, N_NODES, dtype=jnp.int32)
    inp["etypes"] = jax.random.randint(ks[2], (N_EDGES,), 0, NUM_RELS, dtype=jnp.int32)
    # RelGraphConv (basis regularizer) parameters
    inp["basis"] = jax.random.normal(ks[3], (NUM_BASES, D, D), dtype=jnp.float32) * s
    inp["w_comp"] = jax.random.normal(ks[4], (NUM_RELS, NUM_BASES), dtype=jnp.float32) * s
    inp["loop_weight"] = jax.random.normal(ks[5], (D, D), dtype=jnp.float32) * s
    inp["h_bias"] = jnp.zeros((D,), dtype=jnp.float32)
    # MLP parameters: Linear(D,D) -> ReLU -> Linear(D,D) -> ReLU
    inp["W1"] = jax.random.normal(ks[6], (D, D), dtype=jnp.float32) * s
    inp["b1"] = jnp.zeros((D,), dtype=jnp.float32)
    inp["W2"] = jax.random.normal(ks[7], (D, D), dtype=jnp.float32) * s
    inp["b2"] = jnp.zeros((D,), dtype=jnp.float32)
    return inp


def reference(x, edge_index, etypes, basis, w_comp, loop_weight, h_bias, W1, b1, W2, b2):
    src = edge_index[0]
    dst = edge_index[1]
    # basis decomposition: W[r] = sum_b w_comp[r,b] * basis[b]
    W = jnp.einsum('rb,bio->rio', w_comp, basis)            # [R, D, D]
    # low-mem message path: project x by every relation, then gather per edge
    xW = jnp.einsum('ni,rio->nro', x, W)                    # [N, R, D]
    msg = xW[src, etypes]                                   # [E, D] gather
    agg = jax.ops.segment_sum(msg, dst, num_segments=x.shape[0])  # scatter-add
    # self loop + bias (norm=None, activation=None, dropout=0.0)
    h = agg + x @ loop_weight + h_bias
    # MLP: Linear -> ReLU -> Linear -> ReLU; Dropout(0.0) is identity
    h = jax.nn.relu(h @ W1 + b1)
    h = jax.nn.relu(h @ W2 + b2)
    return h

if __name__ == "__main__":
    import jax
    _d = setup_inputs()
    print(jax.jit(kernel)(*tuple(_d.values())))

</pallas_src>

<mosaic_0001>
#map = affine_map<(d0, d1) -> (0, 0)>
#map1 = affine_map<(d0, d1) -> (0, 0, 0)>
module attributes {stable_mosaic.version = 14 : i64} {
  func.func @_sc_scatter(%arg0: i32, %arg1: i32, %arg2: memref<320000x128xf32, #tpu.memory_space<hbm>>, %arg3: memref<16x10000xi32, #tpu.memory_space<hbm>>, %arg4: memref<16x10000xi32, #tpu.memory_space<hbm>>, %arg5: memref<2x10000x128xf32, #tpu.memory_space<hbm>>, %arg6: memref<10000xi32, #tpu.memory_space<vmem>>, %arg7: memref<10000xi32, #tpu.memory_space<vmem>>, %arg8: memref<2x80x128xf32, #tpu.memory_space<vmem>>, %arg9: memref<10000x128xf32, #tpu.memory_space<vmem_shared>>, %arg10: memref<!tpu.dma_semaphore, #tpu.memory_space<semaphore_mem>>, %arg11: memref<!tpu.dma_semaphore, #tpu.memory_space<semaphore_mem>>) attributes {dimension_semantics = [#tpu.dimension_semantics<core_parallel>, #tpu.dimension_semantics<subcore_parallel>], iteration_bounds = array<i64: 2, 16>, scalar_prefetch = 0 : i64, scratch_operands = 6 : i64, tpu.core_type = #tpu.core_type<sc_vector_subcore>, window_params = [{transform_indices = #map}, {transform_indices = #map}, {transform_indices = #map}, {transform_indices = #map1}]} {
    "tpu.region"() ({
      %run_scoped3A_86 = tpu.sem_alloc : memref<!tpu.dma_semaphore, #tpu.memory_space<semaphore_mem>>
      %dma_start3A_87 = arith.constant 0 : i32
      %dma_start3A_88 = tpu.memref_slice %arg3[%arg1, %dma_start3A_87] : memref<16x10000xi32, #tpu.memory_space<hbm>> -> memref<1x10000xi32, #tpu.memory_space<hbm>>
      %dma_start3A_89 = tpu.memref_squeeze %dma_start3A_88 : memref<1x10000xi32, #tpu.memory_space<hbm>> -> memref<10000xi32, #tpu.memory_space<hbm>>
      %dma_start3A_90 = arith.constant 0 : i32
      %dma_start3A_91 = tpu.memref_slice %arg3[%arg1, %dma_start3A_90] : memref<16x10000xi32, #tpu.memory_space<hbm>> -> memref<1x10000xi32, #tpu.memory_space<hbm>>
      %dma_start3A_92 = tpu.memref_squeeze %dma_start3A_91 : memref<1x10000xi32, #tpu.memory_space<hbm>> -> memref<10000xi32, #tpu.memory_space<hbm>>
      tpu.enqueue_dma source(%dma_start3A_92 : memref<10000xi32, #tpu.memory_space<hbm>>) target(%arg7 : memref<10000xi32, #tpu.memory_space<vmem>>) target_semaphore(%run_scoped3A_86 : memref<!tpu.dma_semaphore, #tpu.memory_space<semaphore_mem>>)
      %dma_wait3A_93 = arith.constant 0 : i32
      %dma_wait3A_94 = tpu.memref_slice %arg3[%arg1, %dma_wait3A_93] : memref<16x10000xi32, #tpu.memory_space<hbm>> -> memref<1x10000xi32, #tpu.memory_space<hbm>>
      %dma_wait3A_95 = tpu.memref_squeeze %dma_wait3A_94 : memref<1x10000xi32, #tpu.memory_space<hbm>> -> memref<10000xi32, #tpu.memory_space<hbm>>
      %dma_wait3A_96 = arith.constant 0 : i32
      %dma_wait3A_97 = tpu.memref_slice %arg3[%arg1, %dma_wait3A_96] : memref<16x10000xi32, #tpu.memory_space<hbm>> -> memref<1x10000xi32, #tpu.memory_space<hbm>>
      %dma_wait3A_98 = tpu.memref_squeeze %dma_wait3A_97 : memref<1x10000xi32, #tpu.memory_space<hbm>> -> memref<10000xi32, #tpu.memory_space<hbm>>
      tpu.wait_dma2 semaphore(%run_scoped3A_86 : memref<!tpu.dma_semaphore, #tpu.memory_space<semaphore_mem>>) src(%dma_wait3A_98 : memref<10000xi32, #tpu.memory_space<hbm>>) dst(%arg7 : memref<10000xi32, #tpu.memory_space<vmem>>)
      tpu.yield
    }) : () -> ()
    "tpu.region"() ({
      %run_scoped3A_86 = tpu.sem_alloc : memref<!tpu.dma_semaphore, #tpu.memory_space<semaphore_mem>>
      %dma_start3A_87 = arith.constant 0 : i32
      %dma_start3A_88 = tpu.memref_slice %arg4[%arg1, %dma_start3A_87] : memref<16x10000xi32, #tpu.memory_space<hbm>> -> memref<1x10000xi32, #tpu.memory_space<hbm>>
      %dma_start3A_89 = tpu.memref_squeeze %dma_start3A_88 : memref<1x10000xi32, #tpu.memory_space<hbm>> -> memref<10000xi32, #tpu.memory_space<hbm>>
      %dma_start3A_90 = arith.constant 0 : i32
      %dma_start3A_91 = tpu.memref_slice %arg4[%arg1, %dma_start3A_90] : memref<16x10000xi32, #tpu.memory_space<hbm>> -> memref<1x10000xi32, #tpu.memory_space<hbm>>
      %dma_start3A_92 = tpu.memref_squeeze %dma_start3A_91 : memref<1x10000xi32, #tpu.memory_space<hbm>> -> memref<10000xi32, #tpu.memory_space<hbm>>
      tpu.enqueue_dma source(%dma_start3A_92 : memref<10000xi32, #tpu.memory_space<hbm>>) target(%arg6 : memref<10000xi32, #tpu.memory_space<vmem>>) target_semaphore(%run_scoped3A_86 : memref<!tpu.dma_semaphore, #tpu.memory_space<semaphore_mem>>)
      %dma_wait3A_93 = arith.constant 0 : i32
      %dma_wait3A_94 = tpu.memref_slice %arg4[%arg1, %dma_wait3A_93] : memref<16x10000xi32, #tpu.memory_space<hbm>> -> memref<1x10000xi32, #tpu.memory_space<hbm>>
      %dma_wait3A_95 = tpu.memref_squeeze %dma_wait3A_94 : memref<1x10000xi32, #tpu.memory_space<hbm>> -> memref<10000xi32, #tpu.memory_space<hbm>>
      %dma_wait3A_96 = arith.constant 0 : i32
      %dma_wait3A_97 = tpu.memref_slice %arg4[%arg1, %dma_wait3A_96] : memref<16x10000xi32, #tpu.memory_space<hbm>> -> memref<1x10000xi32, #tpu.memory_space<hbm>>
      %dma_wait3A_98 = tpu.memref_squeeze %dma_wait3A_97 : memref<1x10000xi32, #tpu.memory_space<hbm>> -> memref<10000xi32, #tpu.memory_space<hbm>>
      tpu.wait_dma2 semaphore(%run_scoped3A_86 : memref<!tpu.dma_semaphore, #tpu.memory_space<semaphore_mem>>) src(%dma_wait3A_98 : memref<10000xi32, #tpu.memory_space<hbm>>) dst(%arg6 : memref<10000xi32, #tpu.memory_space<vmem>>)
      tpu.yield
    }) : () -> ()
    %scan3A = arith.constant 0 : i32
    %scan3A_0 = arith.constant 0 : i32
    %scan3A_1 = arith.constant 80 : i32
    %scan3A_2 = arith.addi %scan3A_0, %scan3A_1 : i32
    %scan3A_3 = arith.constant 1 : i32
    %scan3A_4 = scf.for %scan3A_86 = %scan3A_0 to %scan3A_2 step %scan3A_3 iter_args(%scan3A_87 = %scan3A) -> (i32)  : i32 {
      %scan3A_88 = arith.constant 0 : i32
      %scan3A_89 = arith.constant 0 : i32
      %scan3A_90 = arith.constant 8 : i32
      %scan3A_91 = arith.addi %scan3A_89, %scan3A_90 : i32
      %scan3A_92 = arith.constant 1 : i32
      %scan3A_93 = scf.for %scan3A_96 = %scan3A_89 to %scan3A_91 step %scan3A_92 iter_args(%scan3A_97 = %scan3A_88) -> (i32)  : i32 {
        %broadcast_in_dim3A = arith.constant 0.000000e+00 : f32
        %broadcast_in_dim3A_98 = vector.broadcast %broadcast_in_dim3A : f32 to vector<16xf32>
        %mul3A_99 = arith.constant 16 : i32
        %mul3A_100 = arith.muli %scan3A_96, %mul3A_99 : i32
        %swap3A = arith.constant 0 : i32
        %swap3A_101 = arith.index_cast %swap3A : i32 to index
        %swap3A_102 = arith.index_cast %scan3A_86 : i32 to index
        %swap3A_103 = arith.index_cast %mul3A_100 : i32 to index
        %swap3A_104 = tpu.vector_load %arg8[%swap3A_101, %swap3A_102, %swap3A_103] {strides = array<i32>} : memref<2x80x128xf32, #tpu.memory_space<vmem>>, vector<1x1x16xf32>,
        %swap3A_105 = vector.shape_cast %swap3A_104 : vector<1x1x16xf32> to vector<16xf32>
        %swap3A_106 = vector.shape_cast %broadcast_in_dim3A_98 : vector<16xf32> to vector<1x1x16xf32>
        tpu.vector_store %arg8[%swap3A_101, %swap3A_102, %swap3A_103], %swap3A_106 {strides = array<i32>} : memref<2x80x128xf32, #tpu.memory_space<vmem>>, vector<1x1x16xf32>,
        %scan3A_107 = arith.constant 0 : i32
        scf.yield %scan3A_107 : i32
      }
      %scan3A_94 = arith.constant 8 : i32
      %scan3A_95 = arith.constant 0 : i32
      scf.yield %scan3A_95 : i32
    }
    %scan3A_5 = arith.constant 80 : i32
    %mul3A = arith.constant 624 : i32
    %mul3A_6 = arith.muli %arg1, %mul3A : i32
    %add3A = arith.constant 0 : i32
    %add3A_7 = arith.addi %mul3A_6, %add3A : i32
    %run_scoped3A = arith.constant 0 : i32
    "tpu.region"() ({
      %run_scoped3A_86 = tpu.sem_alloc : memref<!tpu.dma_semaphore, #tpu.memory_space<semaphore_mem>>
      %dma_start3A_87 = arith.constant 0 : i32
      %dma_start3A_88 = arith.constant 0 : i32
      %dma_start3A_89 = tpu.memref_slice %arg8[%run_scoped3A, %dma_start3A_87, %dma_start3A_88] : memref<2x80x128xf32, #tpu.memory_space<vmem>> -> memref<1x80x128xf32, #tpu.memory_space<vmem>>
      %dma_start3A_90 = tpu.memref_squeeze %dma_start3A_89 : memref<1x80x128xf32, #tpu.memory_space<vmem>> -> memref<80x128xf32, #tpu.memory_space<vmem>>
      %dma_start3A_91 = arith.constant 0 : i32
      %dma_start3A_92 = tpu.memref_slice %arg9[%add3A_7, %dma_start3A_91] : memref<10000x128xf32, #tpu.memory_space<vmem_shared>> -> memref<80x128xf32, #tpu.memory_space<vmem_shared>>
      %dma_start3A_93 = arith.constant 0 : i32
      %dma_start3A_94 = tpu.memref_slice %arg9[%add3A_7, %dma_start3A_93] : memref<10000x128xf32, #tpu.memory_space<vmem_shared>> -> memref<80x128xf32, #tpu.memory_space<vmem_shared>>
      %dma_start3A_95 = arith.constant 0 : i32
      %dma_start3A_96 = arith.constant 0 : i32
      %dma_start3A_97 = tpu.memref_slice %arg8[%run_scoped3A, %dma_start3A_95, %dma_start3A_96] : memref<2x80x128xf32, #tpu.memory_space<vmem>> -> memref<1x80x128xf32, #tpu.memory_space<vmem>>
      %dma_start3A_98 = tpu.memref_squeeze %dma_start3A_97 : memref<1x80x128xf32, #tpu.memory_space<vmem>> -> memref<80x128xf32, #tpu.memory_space<vmem>>
      tpu.enqueue_dma source(%dma_start3A_98 : memref<80x128xf32, #tpu.memory_space<vmem>>) target(%dma_start3A_94 : memref<80x128xf32, #tpu.memory_space<vmem_shared>>) target_semaphore(%run_scoped3A_86 : memref<!tpu.dma_semaphore, #tpu.memory_space<semaphore_mem>>)
      %dma_wait3A_99 = arith.constant 0 : i32
      %dma_wait3A_100 = arith.constant 0 : i32
      %dma_wait3A_101 = tpu.memref_slice %arg8[%run_scoped3A, %dma_wait3A_99, %dma_wait3A_100] : memref<2x80x128xf32, #tpu.memory_space<vmem>> -> memref<1x80x128xf32, #tpu.memory_space<vmem>>
      %dma_wait3A_102 = tpu.memref_squeeze %dma_wait3A_101 : memref<1x80x128xf32, #tpu.memory_space<vmem>> -> memref<80x128xf32, #tpu.memory_space<vmem>>
      %dma_wait3A_103 = arith.constant 0 : i32
      %dma_wait3A_104 = tpu.memref_slice %arg9[%add3A_7, %dma_wait3A_103] : memref<10000x128xf32, #tpu.memory_space<vmem_shared>> -> memref<80x128xf32, #tpu.memory_space<vmem_shared>>
      %dma_wait3A_105 = arith.constant 0 : i32
      %dma_wait3A_106 = tpu.memref_slice %arg9[%add3A_7, %dma_wait3A_105] : memref<10000x128xf32, #tpu.memory_space<vmem_shared>> -> memref<80x128xf32, #tpu.memory_space<vmem_shared>>
      %dma_wait3A_107 = arith.constant 0 : i32
      %dma_wait3A_108 = arith.constant 0 : i32
      %dma_wait3A_109 = tpu.memref_slice %arg8[%run_scoped3A, %dma_wait3A_107, %dma_wait3A_108] : memref<2x80x128xf32, #tpu.memory_space<vmem>> -> memref<1x80x128xf32, #tpu.memory_space<vmem>>
      %dma_wait3A_110 = tpu.memref_squeeze %dma_wait3A_109 : memref<1x80x128xf32, #tpu.memory_space<vmem>> -> memref<80x128xf32, #tpu.memory_space<vmem>>
      tpu.wait_dma2 semaphore(%run_scoped3A_86 : memref<!tpu.dma_semaphore, #tpu.memory_space<semaphore_mem>>) src(%dma_wait3A_110 : memref<80x128xf32, #tpu.memory_space<vmem>>) dst(%dma_wait3A_106 : memref<80x128xf32, #tpu.memory_space<vmem_shared>>)
      tpu.yield
    }) : () -> ()
    %add3A_8 = arith.constant 80 : i32
    %add3A_9 = arith.addi %mul3A_6, %add3A_8 : i32
    %run_scoped3A_10 = arith.constant 0 : i32
    "tpu.region"() ({
      %run_scoped3A_86 = tpu.sem_alloc : memref<!tpu.dma_semaphore, #tpu.memory_space<semaphore_mem>>
      %dma_start3A_87 = arith.constant 0 : i32
      %dma_start3A_88 = arith.constant 0 : i32
      %dma_start3A_89 = tpu.memref_slice %arg8[%run_scoped3A_10, %dma_start3A_87, %dma_start3A_88] : memref<2x80x128xf32, #tpu.memory_space<vmem>> -> memref<1x80x128xf32, #tpu.memory_space<vmem>>
      %dma_start3A_90 = tpu.memref_squeeze %dma_start3A_89 : memref<1x80x128xf32, #tpu.memory_space<vmem>> -> memref<80x128xf32, #tpu.memory_space<vmem>>
      %dma_start3A_91 = arith.constant 0 : i32
      %dma_start3A_92 = tpu.memref_slice %arg9[%add3A_9, %dma_start3A_91] : memref<10000x128xf32, #tpu.memory_space<vmem_shared>> -> memref<80x128xf32, #tpu.memory_space<vmem_shared>>
      %dma_start3A_93 = arith.constant 0 : i32
      %dma_start3A_94 = tpu.memref_slice %arg9[%add3A_9, %dma_start3A_93] : memref<10000x128xf32, #tpu.memory_space<vmem_shared>> -> memref<80x128xf32, #tpu.memory_space<vmem_shared>>
      %dma_start3A_95 = arith.constant 0 : i32
      %dma_start3A_96 = arith.constant 0 : i32
      %dma_start3A_97 = tpu.memref_slice %arg8[%run_scoped3A_10, %dma_start3A_95, %dma_start3A_96] : memref<2x80x128xf32, #tpu.memory_space<vmem>> -> memref<1x80x128xf32, #tpu.memory_space<vmem>>
      %dma_start3A_98 = tpu.memref_squeeze %dma_start3A_97 : memref<1x80x128xf32, #tpu.memory_space<vmem>> -> memref<80x128xf32, #tpu.memory_space<vmem>>
      tpu.enqueue_dma source(%dma_start3A_98 : memref<80x128xf32, #tpu.memory_space<vmem>>) target(%dma_start3A_94 : memref<80x128xf32, #tpu.memory_space<vmem_shared>>) target_semaphore(%run_scoped3A_86 : memref<!tpu.dma_semaphore, #tpu.memory_space<semaphore_mem>>)
      %dma_wait3A_99 = arith.constant 0 : i32
      %dma_wait3A_100 = arith.constant 0 : i32
      %dma_wait3A_101 = tpu.memref_slice %arg8[%run_scoped3A_10, %dma_wait3A_99, %dma_wait3A_100] : memref<2x80x128xf32, #tpu.memory_space<vmem>> -> memref<1x80x128xf32, #tpu.memory_space<vmem>>
      %dma_wait3A_102 = tpu.memref_squeeze %dma_wait3A_101 : memref<1x80x128xf32, #tpu.memory_space<vmem>> -> memref<80x128xf32, #tpu.memory_space<vmem>>
      %dma_wait3A_103 = arith.constant 0 : i32
      %dma_wait3A_104 = tpu.memref_slice %arg9[%add3A_9, %dma_wait3A_103] : memref<10000x128xf32, #tpu.memory_space<vmem_shared>> -> memref<80x128xf32, #tpu.memory_space<vmem_shared>>
      %dma_wait3A_105 = arith.constant 0 : i32
      %dma_wait3A_106 = tpu.memref_slice %arg9[%add3A_9, %dma_wait3A_105] : memref<10000x128xf32, #tpu.memory_space<vmem_shared>> -> memref<80x128xf32, #tpu.memory_space<vmem_shared>>
      %dma_wait3A_107 = arith.constant 0 : i32
      %dma_wait3A_108 = arith.constant 0 : i32
      %dma_wait3A_109 = tpu.memref_slice %arg8[%run_scoped3A_10, %dma_wait3A_107, %dma_wait3A_108] : memref<2x80x128xf32, #tpu.memory_space<vmem>> -> memref<1x80x128xf32, #tpu.memory_space<vmem>>
      %dma_wait3A_110 = tpu.memref_squeeze %dma_wait3A_109 : memref<1x80x128xf32, #tpu.memory_space<vmem>> -> memref<80x128xf32, #tpu.memory_space<vmem>>
      tpu.wait_dma2 semaphore(%run_scoped3A_86 : memref<!tpu.dma_semaphore, #tpu.memory_space<semaphore_mem>>) src(%dma_wait3A_110 : memref<80x128xf32, #tpu.memory_space<vmem>>) dst(%dma_wait3A_106 : memref<80x128xf32, #tpu.memory_space<vmem_shared>>)
      tpu.yield
    }) : () -> ()
    %add3A_11 = arith.constant 160 : i32
    %add3A_12 = arith.addi %mul3A_6, %add3A_11 : i32
    %run_scoped3A_13 = arith.constant 0 : i32
    "tpu.region"() ({
      %run_scoped3A_86 = tpu.sem_alloc : memref<!tpu.dma_semaphore, #tpu.memory_space<semaphore_mem>>
      %dma_start3A_87 = arith.constant 0 : i32
      %dma_start3A_88 = arith.constant 0 : i32
      %dma_start3A_89 = tpu.memref_slice %arg8[%run_scoped3A_13, %dma_start3A_87, %dma_start3A_88] : memref<2x80x128xf32, #tpu.memory_space<vmem>> -> memref<1x80x128xf32, #tpu.memory_space<vmem>>
      %dma_start3A_90 = tpu.memref_squeeze %dma_start3A_89 : memref<1x80x128xf32, #tpu.memory_space<vmem>> -> memref<80x128xf32, #tpu.memory_space<vmem>>
      %dma_start3A_91 = arith.constant 0 : i32
      %dma_start3A_92 = tpu.memref_slice %arg9[%add3A_12, %dma_start3A_91] : memref<10000x128xf32, #tpu.memory_space<vmem_shared>> -> memref<80x128xf32, #tpu.memory_space<vmem_shared>>
      %dma_start3A_93 = arith.constant 0 : i32
      %dma_start3A_94 = tpu.memref_slice %arg9[%add3A_12, %dma_start3A_93] : memref<10000x128xf32, #tpu.memory_space<vmem_shared>> -> memref<80x128xf32, #tpu.memory_space<vmem_shared>>
      %dma_start3A_95 = arith.constant 0 : i32
      %dma_start3A_96 = arith.constant 0 : i32
      %dma_start3A_97 = tpu.memref_slice %arg8[%run_scoped3A_13, %dma_start3A_95, %dma_start3A_96] : memref<2x80x128xf32, #tpu.memory_space<vmem>> -> memref<1x80x128xf32, #tpu.memory_space<vmem>>
      %dma_start3A_98 = tpu.memref_squeeze %dma_start3A_97 : memref<1x80x128xf32, #tpu.memory_space<vmem>> -> memref<80x128xf32, #tpu.memory_space<vmem>>
      tpu.enqueue_dma source(%dma_start3A_98 : memref<80x128xf32, #tpu.memory_space<vmem>>) target(%dma_start3A_94 : memref<80x128xf32, #tpu.memory_space<vmem_shared>>) target_semaphore(%run_scoped3A_86 : memref<!tpu.dma_semaphore, #tpu.memory_space<semaphore_mem>>)
      %dma_wait3A_99 = arith.constant 0 : i32
      %dma_wait3A_100 = arith.constant 0 : i32
      %dma_wait3A_101 = tpu.memref_slice %arg8[%run_scoped3A_13, %dma_wait3A_99, %dma_wait3A_100] : memref<2x80x128xf32, #tpu.memory_space<vmem>> -> memref<1x80x128xf32, #tpu.memory_space<vmem>>
      %dma_wait3A_102 = tpu.memref_squeeze %dma_wait3A_101 : memref<1x80x128xf32, #tpu.memory_space<vmem>> -> memref<80x128xf32, #tpu.memory_space<vmem>>
      %dma_wait3A_103 = arith.constant 0 : i32
      %dma_wait3A_104 = tpu.memref_slice %arg9[%add3A_12, %dma_wait3A_103] : memref<10000x128xf32, #tpu.memory_space<vmem_shared>> -> memref<80x128xf32, #tpu.memory_space<vmem_shared>>
      %dma_wait3A_105 = arith.constant 0 : i32
      %dma_wait3A_106 = tpu.memref_slice %arg9[%add3A_12, %dma_wait3A_105] : memref<10000x128xf32, #tpu.memory_space<vmem_shared>> -> memref<80x128xf32, #tpu.memory_space<vmem_shared>>
      %dma_wait3A_107 = arith.constant 0 : i32
      %dma_wait3A_108 = arith.constant 0 : i32
      %dma_wait3A_109 = tpu.memref_slice %arg8[%run_scoped3A_13, %dma_wait3A_107, %dma_wait3A_108] : memref<2x80x128xf32, #tpu.memory_space<vmem>> -> memref<1x80x128xf32, #tpu.memory_space<vmem>>
      %dma_wait3A_110 = tpu.memref_squeeze %dma_wait3A_109 : memref<1x80x128xf32, #tpu.memory_space<vmem>> -> memref<80x128xf32, #tpu.memory_space<vmem>>
      tpu.wait_dma2 semaphore(%run_scoped3A_86 : memref<!tpu.dma_semaphore, #tpu.memory_space<semaphore_mem>>) src(%dma_wait3A_110 : memref<80x128xf32, #tpu.memory_space<vmem>>) dst(%dma_wait3A_106 : memref<80x128xf32, #tpu.memory_space<vmem_shared>>)
      tpu.yield
    }) : () -> ()
    %add3A_14 = arith.constant 240 : i32
    %add3A_15 = arith.addi %mul3A_6, %add3A_14 : i32
    %run_scoped3A_16 = arith.constant 0 : i32
    "tpu.region"() ({
      %run_scoped3A_86 = tpu.sem_alloc : memref<!tpu.dma_semaphore, #tpu.memory_space<semaphore_mem>>
      %dma_start3A_87 = arith.constant 0 : i32
      %dma_start3A_88 = arith.constant 0 : i32
      %dma_start3A_89 = tpu.memref_slice %arg8[%run_scoped3A_16, %dma_start3A_87, %dma_start3A_88] : memref<2x80x128xf32, #tpu.memory_space<vmem>> -> memref<1x80x128xf32, #tpu.memory_space<vmem>>
      %dma_start3A_90 = tpu.memref_squeeze %dma_start3A_89 : memref<1x80x128xf32, #tpu.memory_space<vmem>> -> memref<80x128xf32, #tpu.memory_space<vmem>>
      %dma_start3A_91 = arith.constant 0 : i32
      %dma_start3A_92 = tpu.memref_slice %arg9[%add3A_15, %dma_start3A_91] : memref<10000x128xf32, #tpu.memory_space<vmem_shared>> -> memref<80x128xf32, #tpu.memory_space<vmem_shared>>
      %dma_start3A_93 = arith.constant 0 : i32
      %dma_start3A_94 = tpu.memref_slice %arg9[%add3A_15, %dma_start3A_93] : memref<10000x128xf32, #tpu.memory_space<vmem_shared>> -> memref<80x128xf32, #tpu.memory_space<vmem_shared>>
      %dma_start3A_95 = arith.constant 0 : i32
      %dma_start3A_96 = arith.constant 0 : i32
      %dma_start3A_97 = tpu.memref_slice %arg8[%run_scoped3A_16, %dma_start3A_95, %dma_start3A_96] : memref<2x80x128xf32, #tpu.memory_space<vmem>> -> memref<1x80x128xf32, #tpu.memory_space<vmem>>
      %dma_start3A_98 = tpu.memref_squeeze %dma_start3A_97 : memref<1x80x128xf32, #tpu.memory_space<vmem>> -> memref<80x128xf32, #tpu.memory_space<vmem>>
      tpu.enqueue_dma source(%dma_start3A_98 : memref<80x128xf32, #tpu.memory_space<vmem>>) target(%dma_start3A_94 : memref<80x128xf32, #tpu.memory_space<vmem_shared>>) target_semaphore(%run_scoped3A_86 : memref<!tpu.dma_semaphore, #tpu.memory_space<semaphore_mem>>)
      %dma_wait3A_99 = arith.constant 0 : i32
      %dma_wait3A_100 = arith.constant 0 : i32
      %dma_wait3A_101 = tpu.memref_slice %arg8[%run_scoped3A_16, %dma_wait3A_99, %dma_wait3A_100] : memref<2x80x128xf32, #tpu.memory_space<vmem>> -> memref<1x80x128xf32, #tpu.memory_space<vmem>>
      %dma_wait3A_102 = tpu.memref_squeeze %dma_wait3A_101 : memref<1x80x128xf32, #tpu.memory_space<vmem>> -> memref<80x128xf32, #tpu.memory_space<vmem>>
      %dma_wait3A_103 = arith.constant 0 : i32
      %dma_wait3A_104 = tpu.memref_slice %arg9[%add3A_15, %dma_wait3A_103] : memref<10000x128xf32, #tpu.memory_space<vmem_shared>> -> memref<80x128xf32, #tpu.memory_space<vmem_shared>>
      %dma_wait3A_105 = arith.constant 0 : i32
      %dma_wait3A_106 = tpu.memref_slice %arg9[%add3A_15, %dma_wait3A_105] : memref<10000x128xf32, #tpu.memory_space<vmem_shared>> -> memref<80x128xf32, #tpu.memory_space<vmem_shared>>
      %dma_wait3A_107 = arith.constant 0 : i32
      %dma_wait3A_108 = arith.constant 0 : i32
      %dma_wait3A_109 = tpu.memref_slice %arg8[%run_scoped3A_16, %dma_wait3A_107, %dma_wait3A_108] : memref<2x80x128xf32, #tpu.memory_space<vmem>> -> memref<1x80x128xf32, #tpu.memory_space<vmem>>
      %dma_wait3A_110 = tpu.memref_squeeze %dma_wait3A_109 : memref<1x80x128xf32, #tpu.memory_space<vmem>> -> memref<80x128xf32, #tpu.memory_space<vmem>>
      tpu.wait_dma2 semaphore(%run_scoped3A_86 : memref<!tpu.dma_semaphore, #tpu.memory_space<semaphore_mem>>) src(%dma_wait3A_110 : memref<80x128xf32, #tpu.memory_space<vmem>>) dst(%dma_wait3A_106 : memref<80x128xf32, #tpu.memory_space<vmem_shared>>)
      tpu.yield
    }) : () -> ()
    %add3A_17 = arith.constant 320 : i32
    %add3A_18 = arith.addi %mul3A_6, %add3A_17 : i32
    %run_scoped3A_19 = arith.constant 0 : i32
    "tpu.region"() ({
      %run_scoped3A_86 = tpu.sem_alloc : memref<!tpu.dma_semaphore, #tpu.memory_space<semaphore_mem>>
      %dma_start3A_87 = arith.constant 0 : i32
      %dma_start3A_88 = arith.constant 0 : i32
      %dma_start3A_89 = tpu.memref_slice %arg8[%run_scoped3A_19, %dma_start3A_87, %dma_start3A_88] : memref<2x80x128xf32, #tpu.memory_space<vmem>> -> memref<1x80x128xf32, #tpu.memory_space<vmem>>
      %dma_start3A_90 = tpu.memref_squeeze %dma_start3A_89 : memref<1x80x128xf32, #tpu.memory_space<vmem>> -> memref<80x128xf32, #tpu.memory_space<vmem>>
      %dma_start3A_91 = arith.constant 0 : i32
      %dma_start3A_92 = tpu.memref_slice %arg9[%add3A_18, %dma_start3A_91] : memref<10000x128xf32, #tpu.memory_space<vmem_shared>> -> memref<80x128xf32, #tpu.memory_space<vmem_shared>>
      %dma_start3A_93 = arith.constant 0 : i32
      %dma_start3A_94 = tpu.memref_slice %arg9[%add3A_18, %dma_start3A_93] : memref<10000x128xf32, #tpu.memory_space<vmem_shared>> -> memref<80x128xf32, #tpu.memory_space<vmem_shared>>
      %dma_start3A_95 = arith.constant 0 : i32
      %dma_start3A_96 = arith.constant 0 : i32
      %dma_start3A_97 = tpu.memref_slice %arg8[%run_scoped3A_19, %dma_start3A_95, %dma_start3A_96] : memref<2x80x128xf32, #tpu.memory_space<vmem>> -> memref<1x80x128xf32, #tpu.memory_space<vmem>>
      %dma_start3A_98 = tpu.memref_squeeze %dma_start3A_97 : memref<1x80x128xf32, #tpu.memory_space<vmem>> -> memref<80x128xf32, #tpu.memory_space<vmem>>
      tpu.enqueue_dma source(%dma_start3A_98 : memref<80x128xf32, #tpu.memory_space<vmem>>) target(%dma_start3A_94 : memref<80x128xf32, #tpu.memory_space<vmem_shared>>) target_semaphore(%run_scoped3A_86 : memref<!tpu.dma_semaphore, #tpu.memory_space<semaphore_mem>>)
      %dma_wait3A_99 = arith.constant 0 : i32
      %dma_wait3A_100 = arith.constant 0 : i32
      %dma_wait3A_101 = tpu.memref_slice %arg8[%run_scoped3A_19, %dma_wait3A_99, %dma_wait3A_100] : memref<2x80x128xf32, #tpu.memory_space<vmem>> -> memref<1x80x128xf32, #tpu.memory_space<vmem>>
      %dma_wait3A_102 = tpu.memref_squeeze %dma_wait3A_101 : memref<1x80x128xf32, #tpu.memory_space<vmem>> -> memref<80x128xf32, #tpu.memory_space<vmem>>
      %dma_wait3A_103 = arith.constant 0 : i32
      %dma_wait3A_104 = tpu.memref_slice %arg9[%add3A_18, %dma_wait3A_103] : memref<10000x128xf32, #tpu.memory_space<vmem_shared>> -> memref<80x128xf32, #tpu.memory_space<vmem_shared>>
      %dma_wait3A_105 = arith.constant 0 : i32
      %dma_wait3A_106 = tpu.memref_slice %arg9[%add3A_18, %dma_wait3A_105] : memref<10000x128xf32, #tpu.memory_space<vmem_shared>> -> memref<80x128xf32, #tpu.memory_space<vmem_shared>>
      %dma_wait3A_107 = arith.constant 0 : i32
      %dma_wait3A_108 = arith.constant 0 : i32
      %dma_wait3A_109 = tpu.memref_slice %arg8[%run_scoped3A_19, %dma_wait3A_107, %dma_wait3A_108] : memref<2x80x128xf32, #tpu.memory_space<vmem>> -> memref<1x80x128xf32, #tpu.memory_space<vmem>>
      %dma_wait3A_110 = tpu.memref_squeeze %dma_wait3A_109 : memref<1x80x128xf32, #tpu.memory_space<vmem>> -> memref<80x128xf32, #tpu.memory_space<vmem>>
      tpu.wait_dma2 semaphore(%run_scoped3A_86 : memref<!tpu.dma_semaphore, #tpu.memory_space<semaphore_mem>>) src(%dma_wait3A_110 : memref<80x128xf32, #tpu.memory_space<vmem>>) dst(%dma_wait3A_106 : memref<80x128xf32, #tpu.memory_space<vmem_shared>>)
      tpu.yield
    }) : () -> ()
    %add3A_20 = arith.constant 400 : i32
    %add3A_21 = arith.addi %mul3A_6, %add3A_20 : i32
    %run_scoped3A_22 = arith.constant 0 : i32
    "tpu.region"() ({
      %run_scoped3A_86 = tpu.sem_alloc : memref<!tpu.dma_semaphore, #tpu.memory_space<semaphore_mem>>
      %dma_start3A_87 = arith.constant 0 : i32
      %dma_start3A_88 = arith.constant 0 : i32
      %dma_start3A_89 = tpu.memref_slice %arg8[%run_scoped3A_22, %dma_start3A_87, %dma_start3A_88] : memref<2x80x128xf32, #tpu.memory_space<vmem>> -> memref<1x80x128xf32, #tpu.memory_space<vmem>>
      %dma_start3A_90 = tpu.memref_squeeze %dma_start3A_89 : memref<1x80x128xf32, #tpu.memory_space<vmem>> -> memref<80x128xf32, #tpu.memory_space<vmem>>
      %dma_start3A_91 = arith.constant 0 : i32
      %dma_start3A_92 = tpu.memref_slice %arg9[%add3A_21, %dma_start3A_91] : memref<10000x128xf32, #tpu.memory_space<vmem_shared>> -> memref<80x128xf32, #tpu.memory_space<vmem_shared>>
      %dma_start3A_93 = arith.constant 0 : i32
      %dma_start3A_94 = tpu.memref_slice %arg9[%add3A_21, %dma_start3A_93] : memref<10000x128xf32, #tpu.memory_space<vmem_shared>> -> memref<80x128xf32, #tpu.memory_space<vmem_shared>>
      %dma_start3A_95 = arith.constant 0 : i32
      %dma_start3A_96 = arith.constant 0 : i32
      %dma_start3A_97 = tpu.memref_slice %arg8[%run_scoped3A_22, %dma_start3A_95, %dma_start3A_96] : memref<2x80x128xf32, #tpu.memory_space<vmem>> -> memref<1x80x128xf32, #tpu.memory_space<vmem>>
      %dma_start3A_98 = tpu.memref_squeeze %dma_start3A_97 : memref<1x80x128xf32, #tpu.memory_space<vmem>> -> memref<80x128xf32, #tpu.memory_space<vmem>>
      tpu.enqueue_dma source(%dma_start3A_98 : memref<80x128xf32, #tpu.memory_space<vmem>>) target(%dma_start3A_94 : memref<80x128xf32, #tpu.memory_space<vmem_shared>>) target_semaphore(%run_scoped3A_86 : memref<!tpu.dma_semaphore, #tpu.memory_space<semaphore_mem>>)
      %dma_wait3A_99 = arith.constant 0 : i32
      %dma_wait3A_100 = arith.constant 0 : i32
      %dma_wait3A_101 = tpu.memref_slice %arg8[%run_scoped3A_22, %dma_wait3A_99, %dma_wait3A_100] : memref<2x80x128xf32, #tpu.memory_space<vmem>> -> memref<1x80x128xf32, #tpu.memory_space<vmem>>
      %dma_wait3A_102 = tpu.memref_squeeze %dma_wait3A_101 : memref<1x80x128xf32, #tpu.memory_space<vmem>> -> memref<80x128xf32, #tpu.memory_space<vmem>>
      %dma_wait3A_103 = arith.constant 0 : i32
      %dma_wait3A_104 = tpu.memref_slice %arg9[%add3A_21, %dma_wait3A_103] : memref<10000x128xf32, #tpu.memory_space<vmem_shared>> -> memref<80x128xf32, #tpu.memory_space<vmem_shared>>
      %dma_wait3A_105 = arith.constant 0 : i32
      %dma_wait3A_106 = tpu.memref_slice %arg9[%add3A_21, %dma_wait3A_105] : memref<10000x128xf32, #tpu.memory_space<vmem_shared>> -> memref<80x128xf32, #tpu.memory_space<vmem_shared>>
      %dma_wait3A_107 = arith.constant 0 : i32
      %dma_wait3A_108 = arith.constant 0 : i32
      %dma_wait3A_109 = tpu.memref_slice %arg8[%run_scoped3A_22, %dma_wait3A_107, %dma_wait3A_108] : memref<2x80x128xf32, #tpu.memory_space<vmem>> -> memref<1x80x128xf32, #tpu.memory_space<vmem>>
      %dma_wait3A_110 = tpu.memref_squeeze %dma_wait3A_109 : memref<1x80x128xf32, #tpu.memory_space<vmem>> -> memref<80x128xf32, #tpu.memory_space<vmem>>
      tpu.wait_dma2 semaphore(%run_scoped3A_86 : memref<!tpu.dma_semaphore, #tpu.memory_space<semaphore_mem>>) src(%dma_wait3A_110 : memref<80x128xf32, #tpu.memory_space<vmem>>) dst(%dma_wait3A_106 : memref<80x128xf32, #tpu.memory_space<vmem_shared>>)
      tpu.yield
    }) : () -> ()
    %add3A_23 = arith.constant 480 : i32
    %add3A_24 = arith.addi %mul3A_6, %add3A_23 : i32
    %run_scoped3A_25 = arith.constant 0 : i32
    "tpu.region"() ({
      %run_scoped3A_86 = tpu.sem_alloc : memref<!tpu.dma_semaphore, #tpu.memory_space<semaphore_mem>>
      %dma_start3A_87 = arith.constant 0 : i32
      %dma_start3A_88 = arith.constant 0 : i32
      %dma_start3A_89 = tpu.memref_slice %arg8[%run_scoped3A_25, %dma_start3A_87, %dma_start3A_88] : memref<2x80x128xf32, #tpu.memory_space<vmem>> -> memref<1x80x128xf32, #tpu.memory_space<vmem>>
      %dma_start3A_90 = tpu.memref_squeeze %dma_start3A_89 : memref<1x80x128xf32, #tpu.memory_space<vmem>> -> memref<80x128xf32, #tpu.memory_space<vmem>>
      %dma_start3A_91 = arith.constant 0 : i32
      %dma_start3A_92 = tpu.memref_slice %arg9[%add3A_24, %dma_start3A_91] : memref<10000x128xf32, #tpu.memory_space<vmem_shared>> -> memref<80x128xf32, #tpu.memory_space<vmem_shared>>
      %dma_start3A_93 = arith.constant 0 : i32
      %dma_start3A_94 = tpu.memref_slice %arg9[%add3A_24, %dma_start3A_93] : memref<10000x128xf32, #tpu.memory_space<vmem_shared>> -> memref<80x128xf32, #tpu.memory_space<vmem_shared>>
      %dma_start3A_95 = arith.constant 0 : i32
      %dma_start3A_96 = arith.constant 0 : i32
      %dma_start3A_97 = tpu.memref_slice %arg8[%run_scoped3A_25, %dma_start3A_95, %dma_start3A_96] : memref<2x80x128xf32, #tpu.memory_space<vmem>> -> memref<1x80x128xf32, #tpu.memory_space<vmem>>
      %dma_start3A_98 = tpu.memref_squeeze %dma_start3A_97 : memref<1x80x128xf32, #tpu.memory_space<vmem>> -> memref<80x128xf32, #tpu.memory_space<vmem>>
      tpu.enqueue_dma source(%dma_start3A_98 : memref<80x128xf32, #tpu.memory_space<vmem>>) target(%dma_start3A_94 : memref<80x128xf32, #tpu.memory_space<vmem_shared>>) target_semaphore(%run_scoped3A_86 : memref<!tpu.dma_semaphore, #tpu.memory_space<semaphore_mem>>)
      %dma_wait3A_99 = arith.constant 0 : i32
      %dma_wait3A_100 = arith.constant 0 : i32
      %dma_wait3A_101 = tpu.memref_slice %arg8[%run_scoped3A_25, %dma_wait3A_99, %dma_wait3A_100] : memref<2x80x128xf32, #tpu.memory_space<vmem>> -> memref<1x80x128xf32, #tpu.memory_space<vmem>>
      %dma_wait3A_102 = tpu.memref_squeeze %dma_wait3A_101 : memref<1x80x128xf32, #tpu.memory_space<vmem>> -> memref<80x128xf32, #tpu.memory_space<vmem>>
      %dma_wait3A_103 = arith.constant 0 : i32
      %dma_wait3A_104 = tpu.memref_slice %arg9[%add3A_24, %dma_wait3A_103] : memref<10000x128xf32, #tpu.memory_space<vmem_shared>> -> memref<80x128xf32, #tpu.memory_space<vmem_shared>>
      %dma_wait3A_105 = arith.constant 0 : i32
      %dma_wait3A_106 = tpu.memref_slice %arg9[%add3A_24, %dma_wait3A_105] : memref<10000x128xf32, #tpu.memory_space<vmem_shared>> -> memref<80x128xf32, #tpu.memory_space<vmem_shared>>
      %dma_wait3A_107 = arith.constant 0 : i32
      %dma_wait3A_108 = arith.constant 0 : i32
      %dma_wait3A_109 = tpu.memref_slice %arg8[%run_scoped3A_25, %dma_wait3A_107, %dma_wait3A_108] : memref<2x80x128xf32, #tpu.memory_space<vmem>> -> memref<1x80x128xf32, #tpu.memory_space<vmem>>
      %dma_wait3A_110 = tpu.memref_squeeze %dma_wait3A_109 : memref<1x80x128xf32, #tpu.memory_space<vmem>> -> memref<80x128xf32, #tpu.memory_space<vmem>>
      tpu.wait_dma2 semaphore(%run_scoped3A_86 : memref<!tpu.dma_semaphore, #tpu.memory_space<semaphore_mem>>) src(%dma_wait3A_110 : memref<80x128xf32, #tpu.memory_space<vmem>>) dst(%dma_wait3A_106 : memref<80x128xf32, #tpu.memory_space<vmem_shared>>)
      tpu.yield
    }) : () -> ()
    %add3A_26 = arith.constant 560 : i32
    %add3A_27 = arith.addi %mul3A_6, %add3A_26 : i32
    %run_scoped3A_28 = arith.constant 0 : i32
    "tpu.region"() ({
      %run_scoped3A_86 = tpu.sem_alloc : memref<!tpu.dma_semaphore, #tpu.memory_space<semaphore_mem>>
      %dma_start3A_87 = arith.constant 0 : i32
      %dma_start3A_88 = arith.constant 0 : i32
      %dma_start3A_89 = tpu.memref_slice %arg8[%run_scoped3A_28, %dma_start3A_87, %dma_start3A_88] : memref<2x80x128xf32, #tpu.memory_space<vmem>> -> memref<1x64x128xf32, #tpu.memory_space<vmem>>
      %dma_start3A_90 = tpu.memref_squeeze %dma_start3A_89 : memref<1x64x128xf32, #tpu.memory_space<vmem>> -> memref<64x128xf32, #tpu.memory_space<vmem>>
      %dma_start3A_91 = arith.constant 0 : i32
      %dma_start3A_92 = tpu.memref_slice %arg9[%add3A_27, %dma_start3A_91] : memref<10000x128xf32, #tpu.memory_space<vmem_shared>> -> memref<64x128xf32, #tpu.memory_space<vmem_shared>>
      %dma_start3A_93 = arith.constant 0 : i32
      %dma_start3A_94 = tpu.memref_slice %arg9[%add3A_27, %dma_start3A_93] : memref<10000x128xf32, #tpu.memory_space<vmem_shared>> -> memref<64x128xf32, #tpu.memory_space<vmem_shared>>
      %dma_start3A_95 = arith.constant 0 : i32
      %dma_start3A_96 = arith.constant 0 : i32
      %dma_start3A_97 = tpu.memref_slice %arg8[%run_scoped3A_28, %dma_start3A_95, %dma_start3A_96] : memref<2x80x128xf32, #tpu.memory_space<vmem>> -> memref<1x64x128xf32, #tpu.memory_space<vmem>>
      %dma_start3A_98 = tpu.memref_squeeze %dma_start3A_97 : memref<1x64x128xf32, #tpu.memory_space<vmem>> -> memref<64x128xf32, #tpu.memory_space<vmem>>
      tpu.enqueue_dma source(%dma_start3A_98 : memref<64x128xf32, #tpu.memory_space<vmem>>) target(%dma_start3A_94 : memref<64x128xf32, #tpu.memory_space<vmem_shared>>) target_semaphore(%run_scoped3A_86 : memref<!tpu.dma_semaphore, #tpu.memory_space<semaphore_mem>>)
      %dma_wait3A_99 = arith.constant 0 : i32
      %dma_wait3A_100 = arith.constant 0 : i32
      %dma_wait3A_101 = tpu.memref_slice %arg8[%run_scoped3A_28, %dma_wait3A_99, %dma_wait3A_100] : memref<2x80x128xf32, #tpu.memory_space<vmem>> -> memref<1x64x128xf32, #tpu.memory_space<vmem>>
      %dma_wait3A_102 = tpu.memref_squeeze %dma_wait3A_101 : memref<1x64x128xf32, #tpu.memory_space<vmem>> -> memref<64x128xf32, #tpu.memory_space<vmem>>
      %dma_wait3A_103 = arith.constant 0 : i32
      %dma_wait3A_104 = tpu.memref_slice %arg9[%add3A_27, %dma_wait3A_103] : memref<10000x128xf32, #tpu.memory_space<vmem_shared>> -> memref<64x128xf32, #tpu.memory_space<vmem_shared>>
      %dma_wait3A_105 = arith.constant 0 : i32
      %dma_wait3A_106 = tpu.memref_slice %arg9[%add3A_27, %dma_wait3A_105] : memref<10000x128xf32, #tpu.memory_space<vmem_shared>> -> memref<64x128xf32, #tpu.memory_space<vmem_shared>>
      %dma_wait3A_107 = arith.constant 0 : i32
      %dma_wait3A_108 = arith.constant 0 : i32
      %dma_wait3A_109 = tpu.memref_slice %arg8[%run_scoped3A_28, %dma_wait3A_107, %dma_wait3A_108] : memref<2x80x128xf32, #tpu.memory_space<vmem>> -> memref<1x64x128xf32, #tpu.memory_space<vmem>>
      %dma_wait3A_110 = tpu.memref_squeeze %dma_wait3A_109 : memref<1x64x128xf32, #tpu.memory_space<vmem>> -> memref<64x128xf32, #tpu.memory_space<vmem>>
      tpu.wait_dma2 semaphore(%run_scoped3A_86 : memref<!tpu.dma_semaphore, #tpu.memory_space<semaphore_mem>>) src(%dma_wait3A_110 : memref<64x128xf32, #tpu.memory_space<vmem>>) dst(%dma_wait3A_106 : memref<64x128xf32, #tpu.memory_space<vmem_shared>>)
      tpu.yield
    }) : () -> ()
    %eq3A = arith.constant 15 : i32
    %eq3A_29 = arith.cmpi eq, %arg1, %eq3A : i32
    %convert_element_type3A = arith.extui %eq3A_29 : i1 to i32
    %cond3A = arith.constant 0 : i32
    %cond3A_30 = arith.cmpi ne, %convert_element_type3A, %cond3A : i32
    scf.if %cond3A_30 {
      %run_scoped3A_86 = arith.constant 0 : i32
      "tpu.region"() ({
        %run_scoped3A_87 = tpu.sem_alloc : memref<!tpu.dma_semaphore, #tpu.memory_space<semaphore_mem>>
        %dma_start3A_88 = arith.constant 0 : i32
        %dma_start3A_89 = arith.constant 0 : i32
        %dma_start3A_90 = tpu.memref_slice %arg8[%run_scoped3A_86, %dma_start3A_88, %dma_start3A_89] : memref<2x80x128xf32, #tpu.memory_space<vmem>> -> memref<1x16x128xf32, #tpu.memory_space<vmem>>
        %dma_start3A_91 = tpu.memref_squeeze %dma_start3A_90 : memref<1x16x128xf32, #tpu.memory_space<vmem>> -> memref<16x128xf32, #tpu.memory_space<vmem>>
        %dma_start3A_92 = arith.constant 9984 : i32
        %dma_start3A_93 = arith.constant 0 : i32
        %dma_start3A_94 = tpu.memref_slice %arg9[%dma_start3A_92, %dma_start3A_93] : memref<10000x128xf32, #tpu.memory_space<vmem_shared>> -> memref<16x128xf32, #tpu.memory_space<vmem_shared>>
        %dma_start3A_95 = arith.constant 9984 : i32
        %dma_start3A_96 = arith.constant 0 : i32
        %dma_start3A_97 = tpu.memref_slice %arg9[%dma_start3A_95, %dma_start3A_96] : memref<10000x128xf32, #tpu.memory_space<vmem_shared>> -> memref<16x128xf32, #tpu.memory_space<vmem_shared>>
        %dma_start3A_98 = arith.constant 0 : i32
        %dma_start3A_99 = arith.constant 0 : i32
        %dma_start3A_100 = tpu.memref_slice %arg8[%run_scoped3A_86, %dma_start3A_98, %dma_start3A_99] : memref<2x80x128xf32, #tpu.memory_space<vmem>> -> memref<1x16x128xf32, #tpu.memory_space<vmem>>
        %dma_start3A_101 = tpu.memref_squeeze %dma_start3A_100 : memref<1x16x128xf32, #tpu.memory_space<vmem>> -> memref<16x128xf32, #tpu.memory_space<vmem>>
        tpu.enqueue_dma source(%dma_start3A_101 : memref<16x128xf32, #tpu.memory_space<vmem>>) target(%dma_start3A_97 : memref<16x128xf32, #tpu.memory_space<vmem_shared>>) target_semaphore(%run_scoped3A_87 : memref<!tpu.dma_semaphore, #tpu.memory_space<semaphore_mem>>)
        %dma_wait3A_102 = arith.constant 0 : i32
        %dma_wait3A_103 = arith.constant 0 : i32
        %dma_wait3A_104 = tpu.memref_slice %arg8[%run_scoped3A_86, %dma_wait3A_102, %dma_wait3A_103] : memref<2x80x128xf32, #tpu.memory_space<vmem>> -> memref<1x16x128xf32, #tpu.memory_space<vmem>>
        %dma_wait3A_105 = tpu.memref_squeeze %dma_wait3A_104 : memref<1x16x128xf32, #tpu.memory_space<vmem>> -> memref<16x128xf32, #tpu.memory_space<vmem>>
        %dma_wait3A_106 = arith.constant 9984 : i32
        %dma_wait3A_107 = arith.constant 0 : i32
        %dma_wait3A_108 = tpu.memref_slice %arg9[%dma_wait3A_106, %dma_wait3A_107] : memref<10000x128xf32, #tpu.memory_space<vmem_shared>> -> memref<16x128xf32, #tpu.memory_space<vmem_shared>>
        %dma_wait3A_109 = arith.constant 9984 : i32
        %dma_wait3A_110 = arith.constant 0 : i32
        %dma_wait3A_111 = tpu.memref_slice %arg9[%dma_wait3A_109, %dma_wait3A_110] : memref<10000x128xf32, #tpu.memory_space<vmem_shared>> -> memref<16x128xf32, #tpu.memory_space<vmem_shared>>
        %dma_wait3A_112 = arith.constant 0 : i32
        %dma_wait3A_113 = arith.constant 0 : i32
        %dma_wait3A_114 = tpu.memref_slice %arg8[%run_scoped3A_86, %dma_wait3A_112, %dma_wait3A_113] : memref<2x80x128xf32, #tpu.memory_space<vmem>> -> memref<1x16x128xf32, #tpu.memory_space<vmem>>
        %dma_wait3A_115 = tpu.memref_squeeze %dma_wait3A_114 : memref<1x16x128xf32, #tpu.memory_space<vmem>> -> memref<16x128xf32, #tpu.memory_space<vmem>>
        tpu.wait_dma2 semaphore(%run_scoped3A_87 : memref<!tpu.dma_semaphore, #tpu.memory_space<semaphore_mem>>) src(%dma_wait3A_115 : memref<16x128xf32, #tpu.memory_space<vmem>>) dst(%dma_wait3A_111 : memref<16x128xf32, #tpu.memory_space<vmem_shared>>)
        tpu.yield
      }) : () -> ()
    } else {
    }
    %mul3A_31 = arith.constant 160000 : i32
    %mul3A_32 = arith.muli %arg0, %mul3A_31 : i32
    %scan3A_33 = arith.constant 0 : i32
    %scan3A_34 = arith.constant 0 : i32
    %scan3A_35 = arith.constant 625 : i32
    %scan3A_36 = arith.addi %scan3A_34, %scan3A_35 : i32
    %scan3A_37 = arith.constant 1 : i32
    %scan3A_38 = scf.for %scan3A_86 = %scan3A_34 to %scan3A_36 step %scan3A_37 iter_args(%scan3A_87 = %scan3A_33) -> (i32)  : i32 {
      %mul3A_88 = arith.constant 16 : i32
      %mul3A_89 = arith.muli %scan3A_86, %mul3A_88 : i32
      %get3A = arith.index_cast %mul3A_89 : i32 to index
      %get3A_90 = tpu.vector_load %arg7[%get3A] {strides = array<i32>} : memref<10000xi32, #tpu.memory_space<vmem>>, vector<16xi32>,
      %get3A_91 = vector.shape_cast %get3A_90 : vector<16xi32> to vector<16xi32>
      %add3A_92 = vector.broadcast %mul3A_32 : i32 to vector<16xi32>
      %add3A_93 = arith.addi %get3A_91, %add3A_92 : vector<16xi32>
      %swap3A = arith.index_cast %mul3A_89 : i32 to index
      %swap3A_94 = tpu.vector_load %arg7[%swap3A] {strides = array<i32>} : memref<10000xi32, #tpu.memory_space<vmem>>, vector<16xi32>,
      %swap3A_95 = vector.shape_cast %swap3A_94 : vector<16xi32> to vector<16xi32>
      %swap3A_96 = vector.shape_cast %add3A_93 : vector<16xi32> to vector<16xi32>
      tpu.vector_store %arg7[%swap3A], %swap3A_96 {strides = array<i32>} : memref<10000xi32, #tpu.memory_space<vmem>>, vector<16xi32>,
      %scan3A_97 = arith.constant 0 : i32
      scf.yield %scan3A_97 : i32
    }
    %scan3A_39 = arith.constant 625 : i32
    %barrier3A = arith.constant 0 : index
    tpu.barrier barrier_id(%barrier3A)
    %dma_start3A = arith.constant 0 : i32
    %dma_start3A_40 = arith.constant 0 : i32
    %dma_start3A_41 = arith.constant 0 : i32
    %dma_start3A_42 = tpu.memref_slice %arg8[%dma_start3A, %dma_start3A_40, %dma_start3A_41] : memref<2x80x128xf32, #tpu.memory_space<vmem>> -> memref<1x80x128xf32, #tpu.memory_space<vmem>>
    %dma_start3A_43 = tpu.memref_squeeze %dma_start3A_42 : memref<1x80x128xf32, #tpu.memory_space<vmem>> -> memref<80x128xf32, #tpu.memory_space<vmem>>
    %dma_start3A_44 = arith.constant 0 : i32
    %dma_start3A_45 = tpu.memref_slice %arg7[%dma_start3A_44] : memref<10000xi32, #tpu.memory_space<vmem>> -> memref<80xi32, #tpu.memory_space<vmem>>
    %dma_start3A_46 = arith.constant 0 : i32
    %dma_start3A_47 = arith.constant 0 : i32
    %dma_start3A_48 = tpu.memref_slice %arg2[%dma_start3A_46, %dma_start3A_47] : memref<320000x128xf32, #tpu.memory_space<hbm>> -> memref<320000x128xf32, #tpu.memory_space<hbm>>
    tpu.enqueue_indirect_dma source(%dma_start3A_48 : memref<320000x128xf32, #tpu.memory_space<hbm>>) target(%dma_start3A_43 : memref<80x128xf32, #tpu.memory_space<vmem>>) offsets(%dma_start3A_45 : memref<80xi32, #tpu.memory_space<vmem>>) semaphore(%arg10 : memref<!tpu.dma_semaphore, #tpu.memory_space<semaphore_mem>>)
    %dma_start3A_49 = arith.constant 1 : i32
    %dma_start3A_50 = arith.constant 0 : i32
    %dma_start3A_51 = arith.constant 0 : i32
    %dma_start3A_52 = tpu.memref_slice %arg8[%dma_start3A_49, %dma_start3A_50, %dma_start3A_51] : memref<2x80x128xf32, #tpu.memory_space<vmem>> -> memref<1x80x128xf32, #tpu.memory_space<vmem>>
    %dma_start3A_53 = tpu.memref_squeeze %dma_start3A_52 : memref<1x80x128xf32, #tpu.memory_space<vmem>> -> memref<80x128xf32, #tpu.memory_space<vmem>>
    %dma_start3A_54 = arith.constant 80 : i32
    %dma_start3A_55 = tpu.memref_slice %arg7[%dma_start3A_54] : memref<10000xi32, #tpu.memory_space<vmem>> -> memref<80xi32, #tpu.memory_space<vmem>>
    %dma_start3A_56 = arith.constant 0 : i32
    %dma_start3A_57 = arith.constant 0 : i32
    %dma_start3A_58 = tpu.memref_slice %arg2[%dma_start3A_56, %dma_start3A_57] : memref<320000x128xf32, #tpu.memory_space<hbm>> -> memref<320000x128xf32, #tpu.memory_space<hbm>>
    tpu.enqueue_indirect_dma source(%dma_start3A_58 : memref<320000x128xf32, #tpu.memory_space<hbm>>) target(%dma_start3A_53 : memref<80x128xf32, #tpu.memory_space<vmem>>) offsets(%dma_start3A_55 : memref<80xi32, #tpu.memory_space<vmem>>) semaphore(%arg11 : memref<!tpu.dma_semaphore, #tpu.memory_space<semaphore_mem>>)
    %scan3A_59 = arith.constant 0 : i32
    %scan3A_60 = arith.constant 0 : i32
    %scan3A_61 = arith.constant 62 : i32
    %scan3A_62 = arith.addi %scan3A_60, %scan3A_61 : i32
    %scan3A_63 = arith.constant 1 : i32
    %scan3A_64 = scf.for %scan3A_86 = %scan3A_60 to %scan3A_62 step %scan3A_63 iter_args(%scan3A_87 = %scan3A_59) -> (i32)  : i32 {
      %mul3A_88 = arith.constant 2 : i32
      %mul3A_89 = arith.muli %mul3A_88, %scan3A_86 : i32
      %mul3A_90 = arith.constant 80 : i32
      %mul3A_91 = arith.muli %mul3A_89, %mul3A_90 : i32
      %dma_wait3A_92 = arith.constant 0 : i32
      %dma_wait3A_93 = arith.constant 0 : i32
      %dma_wait3A_94 = arith.constant 0 : i32
      %dma_wait3A_95 = tpu.memref_slice %arg8[%dma_wait3A_92, %dma_wait3A_93, %dma_wait3A_94] : memref<2x80x128xf32, #tpu.memory_space<vmem>> -> memref<1x80x128xf32, #tpu.memory_space<vmem>>
      %dma_wait3A_96 = tpu.memref_squeeze %dma_wait3A_95 : memref<1x80x128xf32, #tpu.memory_space<vmem>> -> memref<80x128xf32, #tpu.memory_space<vmem>>
      %dma_wait3A_97 = tpu.memref_slice %arg7[%mul3A_91] : memref<10000xi32, #tpu.memory_space<vmem>> -> memref<80xi32, #tpu.memory_space<vmem>>
      %dma_wait3A_98 = arith.constant 0 : i32
      %dma_wait3A_99 = arith.constant 0 : i32
      %dma_wait3A_100 = tpu.memref_slice %arg2[%dma_wait3A_98, %dma_wait3A_99] : memref<320000x128xf32, #tpu.memory_space<hbm>> -> memref<320000x128xf32, #tpu.memory_space<hbm>>
      tpu.wait_indirect_dma semaphore(%arg10 : memref<!tpu.dma_semaphore, #tpu.memory_space<semaphore_mem>>) src(%dma_wait3A_100 : memref<320000x128xf32, #tpu.memory_space<hbm>>) dst(%dma_wait3A_96 : memref<80x128xf32, #tpu.memory_space<vmem>>)
      %mul3A_101 = arith.constant 80 : i32
      %mul3A_102 = arith.muli %mul3A_89, %mul3A_101 : i32
      %run_scoped3A_103 = arith.constant 0 : i32
      "tpu.region"() ({
        %run_scoped3A_140 = tpu.sem_alloc : memref<!tpu.dma_semaphore, #tpu.memory_space<semaphore_mem>>
        %dma_start3A_141 = arith.constant 0 : i32
        %dma_start3A_142 = arith.constant 0 : i32
        %dma_start3A_143 = tpu.memref_slice %arg8[%run_scoped3A_103, %dma_start3A_141, %dma_start3A_142] : memref<2x80x128xf32, #tpu.memory_space<vmem>> -> memref<1x80x128xf32, #tpu.memory_space<vmem>>
        %dma_start3A_144 = tpu.memref_squeeze %dma_start3A_143 : memref<1x80x128xf32, #tpu.memory_space<vmem>> -> memref<80x128xf32, #tpu.memory_space<vmem>>
        %dma_start3A_145 = tpu.memref_slice %arg6[%mul3A_102] : memref<10000xi32, #tpu.memory_space<vmem>> -> memref<80xi32, #tpu.memory_space<vmem>>
        %dma_start3A_146 = arith.constant 0 : i32
        %dma_start3A_147 = arith.constant 0 : i32
        %dma_start3A_148 = tpu.memref_slice %arg9[%dma_start3A_146, %dma_start3A_147] : memref<10000x128xf32, #tpu.memory_space<vmem_shared>> -> memref<10000x128xf32, #tpu.memory_space<vmem_shared>>
        tpu.enqueue_indirect_dma source(%dma_start3A_144 : memref<80x128xf32, #tpu.memory_space<vmem>>) target(%dma_start3A_148 : memref<10000x128xf32, #tpu.memory_space<vmem_shared>>) offsets(%dma_start3A_145 : memref<80xi32, #tpu.memory_space<vmem>>) semaphore(%run_scoped3A_140 : memref<!tpu.dma_semaphore, #tpu.memory_space<semaphore_mem>>) {add = true}
        %dma_wait3A_149 = arith.constant 0 : i32
        %dma_wait3A_150 = arith.constant 0 : i32
        %dma_wait3A_151 = tpu.memref_slice %arg8[%run_scoped3A_103, %dma_wait3A_149, %dma_wait3A_150] : memref<2x80x128xf32, #tpu.memory_space<vmem>> -> memref<1x80x128xf32, #tpu.memory_space<vmem>>
        %dma_wait3A_152 = tpu.memref_squeeze %dma_wait3A_151 : memref<1x80x128xf32, #tpu.memory_space<vmem>> -> memref<80x128xf32, #tpu.memory_space<vmem>>
        %dma_wait3A_153 = tpu.memref_slice %arg6[%mul3A_102] : memref<10000xi32, #tpu.memory_space<vmem>> -> memref<80xi32, #tpu.memory_space<vmem>>
        %dma_wait3A_154 = arith.constant 0 : i32
        %dma_wait3A_155 = arith.constant 0 : i32
        %dma_wait3A_156 = tpu.memref_slice %arg9[%dma_wait3A_154, %dma_wait3A_155] : memref<10000x128xf32, #tpu.memory_space<vmem_shared>> -> memref<10000x128xf32, #tpu.memory_space<vmem_shared>>
        tpu.wait_indirect_dma semaphore(%run_scoped3A_140 : memref<!tpu.dma_semaphore, #tpu.memory_space<semaphore_mem>>) src(%dma_wait3A_152 : memref<80x128xf32, #tpu.memory_space<vmem>>) dst(%dma_wait3A_156 : memref<10000x128xf32, #tpu.memory_space<vmem_shared>>)
        tpu.yield
      }) : () -> ()
      %add3A_104 = arith.constant 2 : i32
      %add3A_105 = arith.addi %mul3A_89, %add3A_104 : i32
      %mul3A_106 = arith.constant 80 : i32
      %mul3A_107 = arith.muli %add3A_105, %mul3A_106 : i32
      %dma_start3A_108 = arith.constant 0 : i32
      %dma_start3A_109 = arith.constant 0 : i32
      %dma_start3A_110 = arith.constant 0 : i32
      %dma_start3A_111 = tpu.memref_slice %arg8[%dma_start3A_108, %dma_start3A_109, %dma_start3A_110] : memref<2x80x128xf32, #tpu.memory_space<vmem>> -> memref<1x80x128xf32, #tpu.memory_space<vmem>>
      %dma_start3A_112 = tpu.memref_squeeze %dma_start3A_111 : memref<1x80x128xf32, #tpu.memory_space<vmem>> -> memref<80x128xf32, #tpu.memory_space<vmem>>
      %dma_start3A_113 = tpu.memref_slice %arg7[%mul3A_107] : memref<10000xi32, #tpu.memory_space<vmem>> -> memref<80xi32, #tpu.memory_space<vmem>>
      %dma_start3A_114 = arith.constant 0 : i32
      %dma_start3A_115 = arith.constant 0 : i32
      %dma_start3A_116 = tpu.memref_slice %arg2[%dma_start3A_114, %dma_start3A_115] : memref<320000x128xf32, #tpu.memory_space<hbm>> -> memref<320000x128xf32, #tpu.memory_space<hbm>>
      tpu.enqueue_indirect_dma source(%dma_start3A_116 : memref<320000x128xf32, #tpu.memory_space<hbm>>) target(%dma_start3A_112 : memref<80x128xf32, #tpu.memory_space<vmem>>) offsets(%dma_start3A_113 : memref<80xi32, #tpu.memory_space<vmem>>) semaphore(%arg10 : memref<!tpu.dma_semaphore, #tpu.memory_space<semaphore_mem>>)
      %add3A_117 = arith.constant 1 : i32
      %add3A_118 = arith.addi %mul3A_89, %add3A_117 : i32
      %mul3A_119 = arith.constant 80 : i32
      %mul3A_120 = arith.muli %add3A_118, %mul3A_119 : i32
      %dma_wait3A_121 = arith.constant 1 : i32
      %dma_wait3A_122 = arith.constant 0 : i32
      %dma_wait3A_123 = arith.constant 0 : i32
      %dma_wait3A_124 = tpu.memref_slice %arg8[%dma_wait3A_121, %dma_wait3A_122, %dma_wait3A_123] : memref<2x80x128xf32, #tpu.memory_space<vmem>> -> memref<1x80x128xf32, #tpu.memory_space<vmem>>
      %dma_wait3A_125 = tpu.memref_squeeze %dma_wait3A_124 : memref<1x80x128xf32, #tpu.memory_space<vmem>> -> memref<80x128xf32, #tpu.memory_space<vmem>>
      %dma_wait3A_126 = tpu.memref_slice %arg7[%mul3A_120] : memref<10000xi32, #tpu.memory_space<vmem>> -> memref<80xi32, #tpu.memory_space<vmem>>
      %dma_wait3A_127 = arith.constant 0 : i32
      %dma_wait3A_128 = arith.constant 0 : i32
      %dma_wait3A_129 = tpu.memref_slice %arg2[%dma_wait3A_127, %dma_wait3A_128] : memref<320000x128xf32, #tpu.memory_space<hbm>> -> memref<320000x128xf32, #tpu.memory_space<hbm>>
      tpu.wait_indirect_dma semaphore(%arg11 : memref<!tpu.dma_semaphore, #tpu.memory_space<semaphore_mem>>) src(%dma_wait3A_129 : memref<320000x128xf32, #tpu.memory_space<hbm>>) dst(%dma_wait3A_125 : memref<80x128xf32, #tpu.memory_space<vmem>>)
      %mul3A_130 = arith.constant 80 : i32
      %mul3A_131 = arith.muli %add3A_118, %mul3A_130 : i32
      %run_scoped3A_132 = arith.constant 1 : i32
      "tpu.region"() ({
        %run_scoped3A_140 = tpu.sem_alloc : memref<!tpu.dma_semaphore, #tpu.memory_space<semaphore_mem>>
        %dma_start3A_141 = arith.constant 0 : i32
        %dma_start3A_142 = arith.constant 0 : i32
        %dma_start3A_143 = tpu.memref_slice %arg8[%run_scoped3A_132, %dma_start3A_141, %dma_start3A_142] : memref<2x80x128xf32, #tpu.memory_space<vmem>> -> memref<1x80x128xf32, #tpu.memory_space<vmem>>
        %dma_start3A_144 = tpu.memref_squeeze %dma_start3A_143 : memref<1x80x128xf32, #tpu.memory_space<vmem>> -> memref<80x128xf32, #tpu.memory_space<vmem>>
        %dma_start3A_145 = tpu.memref_slice %arg6[%mul3A_131] : memref<10000xi32, #tpu.memory_space<vmem>> -> memref<80xi32, #tpu.memory_space<vmem>>
        %dma_start3A_146 = arith.constant 0 : i32
        %dma_start3A_147 = arith.constant 0 : i32
        %dma_start3A_148 = tpu.memref_slice %arg9[%dma_start3A_146, %dma_start3A_147] : memref<10000x128xf32, #tpu.memory_space<vmem_shared>> -> memref<10000x128xf32, #tpu.memory_space<vmem_shared>>
        tpu.enqueue_indirect_dma source(%dma_start3A_144 : memref<80x128xf32, #tpu.memory_space<vmem>>) target(%dma_start3A_148 : memref<10000x128xf32, #tpu.memory_space<vmem_shared>>) offsets(%dma_start3A_145 : memref<80xi32, #tpu.memory_space<vmem>>) semaphore(%run_scoped3A_140 : memref<!tpu.dma_semaphore, #tpu.memory_space<semaphore_mem>>) {add = true}
        %dma_wait3A_149 = arith.constant 0 : i32
        %dma_wait3A_150 = arith.constant 0 : i32
        %dma_wait3A_151 = tpu.memref_slice %arg8[%run_scoped3A_132, %dma_wait3A_149, %dma_wait3A_150] : memref<2x80x128xf32, #tpu.memory_space<vmem>> -> memref<1x80x128xf32, #tpu.memory_space<vmem>>
        %dma_wait3A_152 = tpu.memref_squeeze %dma_wait3A_151 : memref<1x80x128xf32, #tpu.memory_space<vmem>> -> memref<80x128xf32, #tpu.memory_space<vmem>>
        %dma_wait3A_153 = tpu.memref_slice %arg6[%mul3A_131] : memref<10000xi32, #tpu.memory_space<vmem>> -> memref<80xi32, #tpu.memory_space<vmem>>
        %dma_wait3A_154 = arith.constant 0 : i32
        %dma_wait3A_155 = arith.constant 0 : i32
        %dma_wait3A_156 = tpu.memref_slice %arg9[%dma_wait3A_154, %dma_wait3A_155] : memref<10000x128xf32, #tpu.memory_space<vmem_shared>> -> memref<10000x128xf32, #tpu.memory_space<vmem_shared>>
        tpu.wait_indirect_dma semaphore(%run_scoped3A_140 : memref<!tpu.dma_semaphore, #tpu.memory_space<semaphore_mem>>) src(%dma_wait3A_152 : memref<80x128xf32, #tpu.memory_space<vmem>>) dst(%dma_wait3A_156 : memref<10000x128xf32, #tpu.memory_space<vmem_shared>>)
        tpu.yield
      }) : () -> ()
      %add3A_133 = arith.constant 2 : i32
      %add3A_134 = arith.addi %add3A_118, %add3A_133 : i32
      %lt3A = arith.constant 125 : i32
      %lt3A_135 = arith.cmpi slt, %add3A_134, %lt3A : i32
      %convert_element_type3A_136 = arith.extui %lt3A_135 : i1 to i32
      %cond3A_137 = arith.constant 0 : i32
      %cond3A_138 = arith.cmpi ne, %convert_element_type3A_136, %cond3A_137 : i32
      scf.if %cond3A_138 {
        %add3A_140 = arith.constant 2 : i32
        %add3A_141 = arith.addi %add3A_118, %add3A_140 : i32
        %mul3A_142 = arith.constant 80 : i32
        %mul3A_143 = arith.muli %add3A_141, %mul3A_142 : i32
        %dma_start3A_144 = arith.constant 1 : i32
        %dma_start3A_145 = arith.constant 0 : i32
        %dma_start3A_146 = arith.constant 0 : i32
        %dma_start3A_147 = tpu.memref_slice %arg8[%dma_start3A_144, %dma_start3A_145, %dma_start3A_146] : memref<2x80x128xf32, #tpu.memory_space<vmem>> -> memref<1x80x128xf32, #tpu.memory_space<vmem>>
        %dma_start3A_148 = tpu.memref_squeeze %dma_start3A_147 : memref<1x80x128xf32, #tpu.memory_space<vmem>> -> memref<80x128xf32, #tpu.memory_space<vmem>>
        %dma_start3A_149 = tpu.memref_slice %arg7[%mul3A_143] : memref<10000xi32, #tpu.memory_space<vmem>> -> memref<80xi32, #tpu.memory_space<vmem>>
        %dma_start3A_150 = arith.constant 0 : i32
        %dma_start3A_151 = arith.constant 0 : i32
        %dma_start3A_152 = tpu.memref_slice %arg2[%dma_start3A_150, %dma_start3A_151] : memref<320000x128xf32, #tpu.memory_space<hbm>> -> memref<320000x128xf32, #tpu.memory_space<hbm>>
        tpu.enqueue_indirect_dma source(%dma_start3A_152 : memref<320000x128xf32, #tpu.memory_space<hbm>>) target(%dma_start3A_148 : memref<80x128xf32, #tpu.memory_space<vmem>>) offsets(%dma_start3A_149 : memref<80xi32, #tpu.memory_space<vmem>>) semaphore(%arg11 : memref<!tpu.dma_semaphore, #tpu.memory_space<semaphore_mem>>)
      } else {
      }
      %scan3A_139 = arith.constant 0 : i32
      scf.yield %scan3A_139 : i32
    }
    %scan3A_65 = arith.constant 62 : i32
    %dma_wait3A = arith.constant 0 : i32
    %dma_wait3A_66 = arith.constant 0 : i32
    %dma_wait3A_67 = arith.constant 0 : i32
    %dma_wait3A_68 = tpu.memref_slice %arg8[%dma_wait3A, %dma_wait3A_66, %dma_wait3A_67] : memref<2x80x128xf32, #tpu.memory_space<vmem>> -> memref<1x80x128xf32, #tpu.memory_space<vmem>>
    %dma_wait3A_69 = tpu.memref_squeeze %dma_wait3A_68 : memref<1x80x128xf32, #tpu.memory_space<vmem>> -> memref<80x128xf32, #tpu.memory_space<vmem>>
    %dma_wait3A_70 = arith.constant 9920 : i32
    %dma_wait3A_71 = tpu.memref_slice %arg7[%dma_wait3A_70] : memref<10000xi32, #tpu.memory_space<vmem>> -> memref<80xi32, #tpu.memory_space<vmem>>
    %dma_wait3A_72 = arith.constant 0 : i32
    %dma_wait3A_73 = arith.constant 0 : i32
    %dma_wait3A_74 = tpu.memref_slice %arg2[%dma_wait3A_72, %dma_wait3A_73] : memref<320000x128xf32, #tpu.memory_space<hbm>> -> memref<320000x128xf32, #tpu.memory_space<hbm>>
    tpu.wait_indirect_dma semaphore(%arg10 : memref<!tpu.dma_semaphore, #tpu.memory_space<semaphore_mem>>) src(%dma_wait3A_74 : memref<320000x128xf32, #tpu.memory_space<hbm>>) dst(%dma_wait3A_69 : memref<80x128xf32, #tpu.memory_space<vmem>>)
    %run_scoped3A_75 = arith.constant 0 : i32
    "tpu.region"() ({
      %run_scoped3A_86 = tpu.sem_alloc : memref<!tpu.dma_semaphore, #tpu.memory_space<semaphore_mem>>
      %dma_start3A_87 = arith.constant 0 : i32
      %dma_start3A_88 = arith.constant 0 : i32
      %dma_start3A_89 = tpu.memref_slice %arg8[%run_scoped3A_75, %dma_start3A_87, %dma_start3A_88] : memref<2x80x128xf32, #tpu.memory_space<vmem>> -> memref<1x80x128xf32, #tpu.memory_space<vmem>>
      %dma_start3A_90 = tpu.memref_squeeze %dma_start3A_89 : memref<1x80x128xf32, #tpu.memory_space<vmem>> -> memref<80x128xf32, #tpu.memory_space<vmem>>
      %dma_start3A_91 = arith.constant 9920 : i32
      %dma_start3A_92 = tpu.memref_slice %arg6[%dma_start3A_91] : memref<10000xi32, #tpu.memory_space<vmem>> -> memref<80xi32, #tpu.memory_space<vmem>>
      %dma_start3A_93 = arith.constant 0 : i32
      %dma_start3A_94 = arith.constant 0 : i32
      %dma_start3A_95 = tpu.memref_slice %arg9[%dma_start3A_93, %dma_start3A_94] : memref<10000x128xf32, #tpu.memory_space<vmem_shared>> -> memref<10000x128xf32, #tpu.memory_space<vmem_shared>>
      tpu.enqueue_indirect_dma source(%dma_start3A_90 : memref<80x128xf32, #tpu.memory_space<vmem>>) target(%dma_start3A_95 : memref<10000x128xf32, #tpu.memory_space<vmem_shared>>) offsets(%dma_start3A_92 : memref<80xi32, #tpu.memory_space<vmem>>) semaphore(%run_scoped3A_86 : memref<!tpu.dma_semaphore, #tpu.memory_space<semaphore_mem>>) {add = true}
      %dma_wait3A_96 = arith.constant 0 : i32
      %dma_wait3A_97 = arith.constant 0 : i32
      %dma_wait3A_98 = tpu.memref_slice %arg8[%run_scoped3A_75, %dma_wait3A_96, %dma_wait3A_97] : memref<2x80x128xf32, #tpu.memory_space<vmem>> -> memref<1x80x128xf32, #tpu.memory_space<vmem>>
      %dma_wait3A_99 = tpu.memref_squeeze %dma_wait3A_98 : memref<1x80x128xf32, #tpu.memory_space<vmem>> -> memref<80x128xf32, #tpu.memory_space<vmem>>
      %dma_wait3A_100 = arith.constant 9920 : i32
      %dma_wait3A_101 = tpu.memref_slice %arg6[%dma_wait3A_100] : memref<10000xi32, #tpu.memory_space<vmem>> -> memref<80xi32, #tpu.memory_space<vmem>>
      %dma_wait3A_102 = arith.constant 0 : i32
      %dma_wait3A_103 = arith.constant 0 : i32
      %dma_wait3A_104 = tpu.memref_slice %arg9[%dma_wait3A_102, %dma_wait3A_103] : memref<10000x128xf32, #tpu.memory_space<vmem_shared>> -> memref<10000x128xf32, #tpu.memory_space<vmem_shared>>
      tpu.wait_indirect_dma semaphore(%run_scoped3A_86 : memref<!tpu.dma_semaphore, #tpu.memory_space<semaphore_mem>>) src(%dma_wait3A_99 : memref<80x128xf32, #tpu.memory_space<vmem>>) dst(%dma_wait3A_104 : memref<10000x128xf32, #tpu.memory_space<vmem_shared>>)
      tpu.yield
    }) : () -> ()
    %barrier3A_76 = arith.constant 0 : index
    tpu.barrier barrier_id(%barrier3A_76)
    %mul3A_77 = arith.constant 624 : i32
    %mul3A_78 = arith.muli %arg1, %mul3A_77 : i32
    %mul3A_79 = arith.constant 624 : i32
    %mul3A_80 = arith.muli %arg1, %mul3A_79 : i32
    "tpu.region"() ({
      %run_scoped3A_86 = tpu.sem_alloc : memref<!tpu.dma_semaphore, #tpu.memory_space<semaphore_mem>>
      %dma_start3A_87 = arith.constant 0 : i32
      %dma_start3A_88 = tpu.memref_slice %arg5[%arg0, %mul3A_80, %dma_start3A_87] : memref<2x10000x128xf32, #tpu.memory_space<hbm>> -> memref<1x624x128xf32, #tpu.memory_space<hbm>>
      %dma_start3A_89 = tpu.memref_squeeze %dma_start3A_88 : memref<1x624x128xf32, #tpu.memory_space<hbm>> -> memref<624x128xf32, #tpu.memory_space<hbm>>
      %dma_start3A_90 = arith.constant 0 : i32
      %dma_start3A_91 = tpu.memref_slice %arg9[%mul3A_78, %dma_start3A_90] : memref<10000x128xf32, #tpu.memory_space<vmem_shared>> -> memref<624x128xf32, #tpu.memory_space<vmem_shared>>
      tpu.enqueue_dma source(%dma_start3A_91 : memref<624x128xf32, #tpu.memory_space<vmem_shared>>) target(%dma_start3A_89 : memref<624x128xf32, #tpu.memory_space<hbm>>) target_semaphore(%run_scoped3A_86 : memref<!tpu.dma_semaphore, #tpu.memory_space<semaphore_mem>>)
      %dma_wait3A_92 = arith.constant 0 : i32
      %dma_wait3A_93 = tpu.memref_slice %arg5[%arg0, %mul3A_80, %dma_wait3A_92] : memref<2x10000x128xf32, #tpu.memory_space<hbm>> -> memref<1x624x128xf32, #tpu.memory_space<hbm>>
      %dma_wait3A_94 = tpu.memref_squeeze %dma_wait3A_93 : memref<1x624x128xf32, #tpu.memory_space<hbm>> -> memref<624x128xf32, #tpu.memory_space<hbm>>
      %dma_wait3A_95 = arith.constant 0 : i32
      %dma_wait3A_96 = tpu.memref_slice %arg9[%mul3A_78, %dma_wait3A_95] : memref<10000x128xf32, #tpu.memory_space<vmem_shared>> -> memref<624x128xf32, #tpu.memory_space<vmem_shared>>
      tpu.wait_dma2 semaphore(%run_scoped3A_86 : memref<!tpu.dma_semaphore, #tpu.memory_space<semaphore_mem>>) src(%dma_wait3A_96 : memref<624x128xf32, #tpu.memory_space<vmem_shared>>) dst(%dma_wait3A_94 : memref<624x128xf32, #tpu.memory_space<hbm>>)
      tpu.yield
    }) : () -> ()
    %eq3A_81 = arith.constant 15 : i32
    %eq3A_82 = arith.cmpi eq, %arg1, %eq3A_81 : i32
    %convert_element_type3A_83 = arith.extui %eq3A_82 : i1 to i32
    %cond3A_84 = arith.constant 0 : i32
    %cond3A_85 = arith.cmpi ne, %convert_element_type3A_83, %cond3A_84 : i32
    scf.if %cond3A_85 {
      "tpu.region"() ({
        %run_scoped3A_86 = tpu.sem_alloc : memref<!tpu.dma_semaphore, #tpu.memory_space<semaphore_mem>>
        %dma_start3A_87 = arith.constant 9984 : i32
        %dma_start3A_88 = arith.constant 0 : i32
        %dma_start3A_89 = tpu.memref_slice %arg5[%arg0, %dma_start3A_87, %dma_start3A_88] : memref<2x10000x128xf32, #tpu.memory_space<hbm>> -> memref<1x16x128xf32, #tpu.memory_space<hbm>>
        %dma_start3A_90 = tpu.memref_squeeze %dma_start3A_89 : memref<1x16x128xf32, #tpu.memory_space<hbm>> -> memref<16x128xf32, #tpu.memory_space<hbm>>
        %dma_start3A_91 = arith.constant 9984 : i32
        %dma_start3A_92 = arith.constant 0 : i32
        %dma_start3A_93 = tpu.memref_slice %arg9[%dma_start3A_91, %dma_start3A_92] : memref<10000x128xf32, #tpu.memory_space<vmem_shared>> -> memref<16x128xf32, #tpu.memory_space<vmem_shared>>
        tpu.enqueue_dma source(%dma_start3A_93 : memref<16x128xf32, #tpu.memory_space<vmem_shared>>) target(%dma_start3A_90 : memref<16x128xf32, #tpu.memory_space<hbm>>) target_semaphore(%run_scoped3A_86 : memref<!tpu.dma_semaphore, #tpu.memory_space<semaphore_mem>>)
        %dma_wait3A_94 = arith.constant 9984 : i32
        %dma_wait3A_95 = arith.constant 0 : i32
        %dma_wait3A_96 = tpu.memref_slice %arg5[%arg0, %dma_wait3A_94, %dma_wait3A_95] : memref<2x10000x128xf32, #tpu.memory_space<hbm>> -> memref<1x16x128xf32, #tpu.memory_space<hbm>>
        %dma_wait3A_97 = tpu.memref_squeeze %dma_wait3A_96 : memref<1x16x128xf32, #tpu.memory_space<hbm>> -> memref<16x128xf32, #tpu.memory_space<hbm>>
        %dma_wait3A_98 = arith.constant 9984 : i32
        %dma_wait3A_99 = arith.constant 0 : i32
        %dma_wait3A_100 = tpu.memref_slice %arg9[%dma_wait3A_98, %dma_wait3A_99] : memref<10000x128xf32, #tpu.memory_space<vmem_shared>> -> memref<16x128xf32, #tpu.memory_space<vmem_shared>>
        tpu.wait_dma2 semaphore(%run_scoped3A_86 : memref<!tpu.dma_semaphore, #tpu.memory_space<semaphore_mem>>) src(%dma_wait3A_100 : memref<16x128xf32, #tpu.memory_space<vmem_shared>>) dst(%dma_wait3A_97 : memref<16x128xf32, #tpu.memory_space<hbm>>)
        tpu.yield
      }) : () -> ()
    } else {
    }
    return
  }
}

module attributes {stable_mosaic.version = 14 : i64} {
  func.func @_xw_body(%arg0: i32, %arg1: i32, %arg2: memref<1x1x4xf32, #tpu.memory_space<vmem>>, %arg3: memref<10000x256xbf16, #tpu.memory_space<vmem>>, %arg4: memref<4x256x256xbf16, #tpu.memory_space<vmem>>, %arg5: memref<2x10000x128xf32, #tpu.memory_space<vmem>>, %arg6: memref<16x256x256xbf16, #tpu.memory_space<vmem>>) attributes {dimension_semantics = [#tpu.dimension_semantics<arbitrary>, #tpu.dimension_semantics<arbitrary>], iteration_bounds = array<i64: 1, 16>, scalar_prefetch = 0 : i64, scratch_operands = 1 : i64, tpu.core_type = #tpu.core_type<tc>, window_params = [{transform_indices = @transform_0, window_bounds = array<i64: 1, 1, 4>}, {transform_indices = @transform_1, window_bounds = array<i64: 10000, 256>}, {pipeline_mode = #tpu.pipeline_mode<synchronous>, transform_indices = @transform_2, window_bounds = array<i64: 4, 256, 256>}, {transform_indices = @transform_3, window_bounds = array<i64: 2, 10000, 128>}]} {
    %eq3A = arith.constant 0 : i32
    %eq3A_0 = arith.cmpi eq, %arg0, %eq3A : i32
    %convert_element_type3A = arith.extui %eq3A_0 : i1 to i32
    %cond3A = arith.constant 0 : i32
    %cond3A_1 = arith.cmpi ne, %convert_element_type3A, %cond3A : i32
    scf.if %cond3A_1 {
      %get3A_22 = arith.constant 0 : index
      %get3A_23 = arith.constant 0 : index
      %get3A_24 = arith.constant 0 : index
      %get3A_25 = vector.load %arg2[%get3A_22, %get3A_23, %get3A_24] : memref<1x1x4xf32, #tpu.memory_space<vmem>>, vector<1x1x1xf32>
      %get3A_26 = vector.extract %get3A_25[0, 0, 0] : f32 from vector<1x1x1xf32>
      %get3A_27 = arith.constant 0 : index
      %get3A_28 = arith.constant 0 : index
      %get3A_29 = arith.constant 0 : index
      %get3A_30 = vector.load %arg4[%get3A_27, %get3A_28, %get3A_29] : memref<4x256x256xbf16, #tpu.memory_space<vmem>>, vector<1x256x256xbf16>
      %get3A_31 = vector.shape_cast %get3A_30 : vector<1x256x256xbf16> to vector<256x256xbf16>
      %convert_element_type3A_32 = arith.extf %get3A_31 : vector<256x256xbf16> to vector<256x256xf32>
      %mul3A = vector.broadcast %get3A_26 : f32 to vector<256x256xf32>
      %mul3A_33 = arith.mulf %mul3A, %convert_element_type3A_32 : vector<256x256xf32>
      %get3A_34 = arith.constant 0 : index
      %get3A_35 = arith.constant 0 : index
      %get3A_36 = arith.constant 1 : index
      %get3A_37 = vector.load %arg2[%get3A_34, %get3A_35, %get3A_36] : memref<1x1x4xf32, #tpu.memory_space<vmem>>, vector<1x1x1xf32>
      %get3A_38 = vector.extract %get3A_37[0, 0, 0] : f32 from vector<1x1x1xf32>
      %get3A_39 = arith.constant 1 : index
      %get3A_40 = arith.constant 0 : index
      %get3A_41 = arith.constant 0 : index
      %get3A_42 = vector.load %arg4[%get3A_39, %get3A_40, %get3A_41] : memref<4x256x256xbf16, #tpu.memory_space<vmem>>, vector<1x256x256xbf16>
      %get3A_43 = vector.shape_cast %get3A_42 : vector<1x256x256xbf16> to vector<256x256xbf16>
      %convert_element_type3A_44 = arith.extf %get3A_43 : vector<256x256xbf16> to vector<256x256xf32>
      %mul3A_45 = vector.broadcast %get3A_38 : f32 to vector<256x256xf32>
      %mul3A_46 = arith.mulf %mul3A_45, %convert_element_type3A_44 : vector<256x256xf32>
      %add3A = arith.addf %mul3A_33, %mul3A_46 : vector<256x256xf32>
      %get3A_47 = arith.constant 0 : index
      %get3A_48 = arith.constant 0 : index
      %get3A_49 = arith.constant 2 : index
      %get3A_50 = vector.load %arg2[%get3A_47, %get3A_48, %get3A_49] : memref<1x1x4xf32, #tpu.memory_space<vmem>>, vector<1x1x1xf32>
      %get3A_51 = vector.extract %get3A_50[0, 0, 0] : f32 from vector<1x1x1xf32>
      %get3A_52 = arith.constant 2 : index
      %get3A_53 = arith.constant 0 : index
      %get3A_54 = arith.constant 0 : index
      %get3A_55 = vector.load %arg4[%get3A_52, %get3A_53, %get3A_54] : memref<4x256x256xbf16, #tpu.memory_space<vmem>>, vector<1x256x256xbf16>
      %get3A_56 = vector.shape_cast %get3A_55 : vector<1x256x256xbf16> to vector<256x256xbf16>
      %convert_element_type3A_57 = arith.extf %get3A_56 : vector<256x256xbf16> to vector<256x256xf32>
      %mul3A_58 = vector.broadcast %get3A_51 : f32 to vector<256x256xf32>
      %mul3A_59 = arith.mulf %mul3A_58, %convert_element_type3A_57 : vector<256x256xf32>
      %add3A_60 = arith.addf %add3A, %mul3A_59 : vector<256x256xf32>
      %get3A_61 = arith.constant 0 : index
      %get3A_62 = arith.constant 0 : index
      %get3A_63 = arith.constant 3 : index
      %get3A_64 = vector.load %arg2[%get3A_61, %get3A_62, %get3A_63] : memref<1x1x4xf32, #tpu.memory_space<vmem>>, vector<1x1x1xf32>
      %get3A_65 = vector.extract %get3A_64[0, 0, 0] : f32 from vector<1x1x1xf32>
      %get3A_66 = arith.constant 3 : index
      %get3A_67 = arith.constant 0 : index
      %get3A_68 = arith.constant 0 : index
      %get3A_69 = vector.load %arg4[%get3A_66, %get3A_67, %get3A_68] : memref<4x256x256xbf16, #tpu.memory_space<vmem>>, vector<1x256x256xbf16>
      %get3A_70 = vector.shape_cast %get3A_69 : vector<1x256x256xbf16> to vector<256x256xbf16>
      %convert_element_type3A_71 = arith.extf %get3A_70 : vector<256x256xbf16> to vector<256x256xf32>
      %mul3A_72 = vector.broadcast %get3A_65 : f32 to vector<256x256xf32>
      %mul3A_73 = arith.mulf %mul3A_72, %convert_element_type3A_71 : vector<256x256xf32>
      %add3A_74 = arith.addf %add3A_60, %mul3A_73 : vector<256x256xf32>
      %convert_element_type3A_75 = arith.truncf %add3A_74 : vector<256x256xf32> to vector<256x256xbf16>
      %swap3A_76 = arith.index_cast %arg1 : i32 to index
      %swap3A_77 = arith.constant 0 : index
      %swap3A_78 = arith.constant 0 : index
      %swap3A_79 = vector.load %arg6[%swap3A_76, %swap3A_77, %swap3A_78] : memref<16x256x256xbf16, #tpu.memory_space<vmem>>, vector<1x256x256xbf16>
      %swap3A_80 = vector.shape_cast %swap3A_79 : vector<1x256x256xbf16> to vector<256x256xbf16>
      %swap3A_81 = vector.shape_cast %convert_element_type3A_75 : vector<256x256xbf16> to vector<1x256x256xbf16>
      tpu.vector_store %arg6[%swap3A_76, %swap3A_77, %swap3A_78], %swap3A_81 {strides = array<i32>} : memref<16x256x256xbf16, #tpu.memory_space<vmem>>, vector<1x256x256xbf16>,
    } else {
    }
    %get3A = arith.constant 0 : index
    %get3A_2 = arith.constant 0 : index
    %get3A_3 = vector.load %arg3[%get3A, %get3A_2] : memref<10000x256xbf16, #tpu.memory_space<vmem>>, vector<10000x256xbf16>
    %get3A_4 = arith.index_cast %arg1 : i32 to index
    %get3A_5 = arith.constant 0 : index
    %get3A_6 = arith.constant 0 : index
    %get3A_7 = vector.load %arg6[%get3A_4, %get3A_5, %get3A_6] : memref<16x256x256xbf16, #tpu.memory_space<vmem>>, vector<1x256x256xbf16>
    %get3A_8 = vector.shape_cast %get3A_7 : vector<1x256x256xbf16> to vector<256x256xbf16>
    %dot_general3A = arith.constant dense<0.000000e+00> : vector<10000x256xf32>
    %dot_general3A_9 = tpu.matmul %get3A_3, %get3A_8, %dot_general3A {dimension_numbers = #tpu.dot_dimension_numbers<[1], [0], [0], [1], [0, 0, 1, 1], [], []>, transpose_lhs_hint = false} : vector<10000x256xbf16>, vector<256x256xbf16>, vector<10000x256xf32> -> vector<10000x256xf32>
    %slice3A = vector.extract_strided_slice %dot_general3A_9 {offsets = [0, 0], sizes = [10000, 128], strides = [1, 1]} : vector<10000x256xf32> to vector<10000x128xf32>
    %swap3A = arith.constant 0 : index
    %swap3A_10 = arith.constant 0 : index
    %swap3A_11 = arith.constant 0 : index
    %swap3A_12 = vector.load %arg5[%swap3A, %swap3A_10, %swap3A_11] : memref<2x10000x128xf32, #tpu.memory_space<vmem>>, vector<1x10000x128xf32>
    %swap3A_13 = vector.shape_cast %swap3A_12 : vector<1x10000x128xf32> to vector<10000x128xf32>
    %swap3A_14 = vector.shape_cast %slice3A : vector<10000x128xf32> to vector<1x10000x128xf32>
    tpu.vector_store %arg5[%swap3A, %swap3A_10, %swap3A_11], %swap3A_14 {strides = array<i32>} : memref<2x10000x128xf32, #tpu.memory_space<vmem>>, vector<1x10000x128xf32>,
    %slice3A_15 = vector.extract_strided_slice %dot_general3A_9 {offsets = [0, 128], sizes = [10000, 128], strides = [1, 1]} : vector<10000x256xf32> to vector<10000x128xf32>
    %swap3A_16 = arith.constant 1 : index
    %swap3A_17 = arith.constant 0 : index
    %swap3A_18 = arith.constant 0 : index
    %swap3A_19 = vector.load %arg5[%swap3A_16, %swap3A_17, %swap3A_18] : memref<2x10000x128xf32, #tpu.memory_space<vmem>>, vector<1x10000x128xf32>
    %swap3A_20 = vector.shape_cast %swap3A_19 : vector<1x10000x128xf32> to vector<10000x128xf32>
    %swap3A_21 = vector.shape_cast %slice3A_15 : vector<10000x128xf32> to vector<1x10000x128xf32>
    tpu.vector_store %arg5[%swap3A_16, %swap3A_17, %swap3A_18], %swap3A_21 {strides = array<i32>} : memref<2x10000x128xf32, #tpu.memory_space<vmem>>, vector<1x10000x128xf32>,
    return
  }
  func.func @transform_0(%arg0: i32, %arg1: i32) -> (i32, i32, i32) {
    %c0_i32 = arith.constant 0 : i32
    %c0_i32_0 = arith.constant 0 : i32
    %c0_i32_1 = arith.constant 0 : i32
    return %arg1, %c0_i32, %c0_i32_0 : i32, i32, i32
  }
  func.func @transform_1(%arg0: i32, %arg1: i32) -> (i32, i32) {
    %c0_i32 = arith.constant 0 : i32
    %c0_i32_0 = arith.constant 0 : i32
    return %arg0, %c0_i32 : i32, i32
  }
  func.func @transform_2(%arg0: i32, %arg1: i32) -> (i32, i32, i32) {
    %c0_i32 = arith.constant 0 : i32
    %c0_i32_0 = arith.constant 0 : i32
    %c0_i32_1 = arith.constant 0 : i32
    %c0_i32_2 = arith.constant 0 : i32
    return %c0_i32, %c0_i32_0, %c0_i32_1 : i32, i32, i32
  }
  func.func @transform_3(%arg0: i32, %arg1: i32) -> (i32, i32, i32) {
    %mul3A = arith.constant 1 : i32
    %mul3A_0 = arith.muli %arg1, %mul3A : i32
    %add3A = arith.addi %mul3A_0, %arg0 : i32
    %c0_i32 = arith.constant 0 : i32
    %c0_i32_1 = arith.constant 0 : i32
    %c0_i32_2 = arith.constant 0 : i32
    return %c0_i32, %add3A, %c0_i32_1 : i32, i32, i32
  }
}

module attributes {stable_mosaic.version = 14 : i64} {
  func.func @_mlp_body(%arg0: i32, %arg1: memref<1x10000x128xf32, #tpu.memory_space<vmem>>, %arg2: memref<1x10000x128xf32, #tpu.memory_space<vmem>>, %arg3: memref<10000x256xf32, #tpu.memory_space<vmem>>, %arg4: memref<256x256xf32, #tpu.memory_space<vmem>>, %arg5: memref<1x256xf32, #tpu.memory_space<vmem>>, %arg6: memref<256x256xf32, #tpu.memory_space<vmem>>, %arg7: memref<1x256xf32, #tpu.memory_space<vmem>>, %arg8: memref<256x256xf32, #tpu.memory_space<vmem>>, %arg9: memref<1x256xf32, #tpu.memory_space<vmem>>, %arg10: memref<10000x256xf32, #tpu.memory_space<vmem>>) attributes {dimension_semantics = [#tpu.dimension_semantics<arbitrary>], iteration_bounds = array<i64: 1>, scalar_prefetch = 0 : i64, scratch_operands = 0 : i64, tpu.core_type = #tpu.core_type<tc>, window_params = [{transform_indices = @transform_0, window_bounds = array<i64: 1, 10000, 128>}, {transform_indices = @transform_1, window_bounds = array<i64: 1, 10000, 128>}, {transform_indices = @transform_2, window_bounds = array<i64: 10000, 256>}, {pipeline_mode = #tpu.pipeline_mode<synchronous>, transform_indices = @transform_3, window_bounds = array<i64: 256, 256>}, {pipeline_mode = #tpu.pipeline_mode<synchronous>, transform_indices = @transform_4, window_bounds = array<i64: 1, 256>}, {pipeline_mode = #tpu.pipeline_mode<synchronous>, transform_indices = @transform_5, window_bounds = array<i64: 256, 256>}, {pipeline_mode = #tpu.pipeline_mode<synchronous>, transform_indices = @transform_6, window_bounds = array<i64: 1, 256>}, {pipeline_mode = #tpu.pipeline_mode<synchronous>, transform_indices = @transform_7, window_bounds = array<i64: 256, 256>}, {pipeline_mode = #tpu.pipeline_mode<synchronous>, transform_indices = @transform_8, window_bounds = array<i64: 1, 256>}, {transform_indices = @transform_9, window_bounds = array<i64: 10000, 256>}]} {
    %get3A = arith.constant 0 : index
    %get3A_0 = arith.constant 0 : index
    %get3A_1 = arith.constant 0 : index
    %get3A_2 = vector.load %arg1[%get3A, %get3A_0, %get3A_1] : memref<1x10000x128xf32, #tpu.memory_space<vmem>>, vector<1x10000x128xf32>
    %get3A_3 = vector.shape_cast %get3A_2 : vector<1x10000x128xf32> to vector<10000x128xf32>
    %get3A_4 = arith.constant 0 : index
    %get3A_5 = arith.constant 0 : index
    %get3A_6 = arith.constant 0 : index
    %get3A_7 = vector.load %arg2[%get3A_4, %get3A_5, %get3A_6] : memref<1x10000x128xf32, #tpu.memory_space<vmem>>, vector<1x10000x128xf32>
    %get3A_8 = vector.shape_cast %get3A_7 : vector<1x10000x128xf32> to vector<10000x128xf32>
    %concatenate3A = tpu.concatenate %get3A_3, %get3A_8 in 1 : vector<10000x128xf32>, vector<10000x128xf32> -> vector<10000x256xf32>
    %get3A_9 = arith.constant 0 : index
    %get3A_10 = arith.constant 0 : index
    %get3A_11 = vector.load %arg3[%get3A_9, %get3A_10] : memref<10000x256xf32, #tpu.memory_space<vmem>>, vector<10000x256xf32>
    %get3A_12 = arith.constant 0 : index
    %get3A_13 = arith.constant 0 : index
    %get3A_14 = vector.load %arg4[%get3A_12, %get3A_13] : memref<256x256xf32, #tpu.memory_space<vmem>>, vector<256x256xf32>
    %dot_general3A = arith.constant dense<0.000000e+00> : vector<10000x256xf32>
    %dot_general3A_15 = tpu.matmul %get3A_11, %get3A_14, %dot_general3A {dimension_numbers = #tpu.dot_dimension_numbers<[1], [0], [0], [1], [0, 0, 1, 1], [], []>, transpose_lhs_hint = false} : vector<10000x256xf32>, vector<256x256xf32>, vector<10000x256xf32> -> vector<10000x256xf32>
    %add3A = arith.addf %concatenate3A, %dot_general3A_15 : vector<10000x256xf32>
    %get3A_16 = arith.constant 0 : index
    %get3A_17 = arith.constant 0 : index
    %get3A_18 = vector.load %arg5[%get3A_16, %get3A_17] : memref<1x256xf32, #tpu.memory_space<vmem>>, vector<1x256xf32>
    %add3A_19 = vector.broadcast %get3A_18 : vector<1x256xf32> to vector<10000x256xf32>
    %add3A_20 = arith.addf %add3A, %add3A_19 : vector<10000x256xf32>
    %get3A_21 = arith.constant 0 : index
    %get3A_22 = arith.constant 0 : index
    %get3A_23 = vector.load %arg6[%get3A_21, %get3A_22] : memref<256x256xf32, #tpu.memory_space<vmem>>, vector<256x256xf32>
    %dot_general3A_24 = arith.constant dense<0.000000e+00> : vector<10000x256xf32>
    %dot_general3A_25 = tpu.matmul %add3A_20, %get3A_23, %dot_general3A_24 {dimension_numbers = #tpu.dot_dimension_numbers<[1], [0], [0], [1], [0, 0, 1, 1], [], []>, transpose_lhs_hint = false} : vector<10000x256xf32>, vector<256x256xf32>, vector<10000x256xf32> -> vector<10000x256xf32>
    %get3A_26 = arith.constant 0 : index
    %get3A_27 = arith.constant 0 : index
    %get3A_28 = vector.load %arg7[%get3A_26, %get3A_27] : memref<1x256xf32, #tpu.memory_space<vmem>>, vector<1x256xf32>
    %add3A_29 = vector.broadcast %get3A_28 : vector<1x256xf32> to vector<10000x256xf32>
    %add3A_30 = arith.addf %dot_general3A_25, %add3A_29 : vector<10000x256xf32>
    %max3A = arith.constant 0.000000e+00 : f32
    %max3A_31 = vector.broadcast %max3A : f32 to vector<10000x256xf32>
    %max3A_32 = arith.maximumf %add3A_30, %max3A_31 : vector<10000x256xf32>
    %get3A_33 = arith.constant 0 : index
    %get3A_34 = arith.constant 0 : index
    %get3A_35 = vector.load %arg8[%get3A_33, %get3A_34] : memref<256x256xf32, #tpu.memory_space<vmem>>, vector<256x256xf32>
    %dot_general3A_36 = arith.constant dense<0.000000e+00> : vector<10000x256xf32>
    %dot_general3A_37 = tpu.matmul %max3A_32, %get3A_35, %dot_general3A_36 {dimension_numbers = #tpu.dot_dimension_numbers<[1], [0], [0], [1], [0, 0, 1, 1], [], []>, transpose_lhs_hint = false} : vector<10000x256xf32>, vector<256x256xf32>, vector<10000x256xf32> -> vector<10000x256xf32>
    %get3A_38 = arith.constant 0 : index
    %get3A_39 = arith.constant 0 : index
    %get3A_40 = vector.load %arg9[%get3A_38, %get3A_39] : memref<1x256xf32, #tpu.memory_space<vmem>>, vector<1x256xf32>
    %add3A_41 = vector.broadcast %get3A_40 : vector<1x256xf32> to vector<10000x256xf32>
    %add3A_42 = arith.addf %dot_general3A_37, %add3A_41 : vector<10000x256xf32>
    %max3A_43 = arith.constant 0.000000e+00 : f32
    %max3A_44 = vector.broadcast %max3A_43 : f32 to vector<10000x256xf32>
    %max3A_45 = arith.maximumf %add3A_42, %max3A_44 : vector<10000x256xf32>
    %swap3A = arith.constant 0 : index
    %swap3A_46 = arith.constant 0 : index
    %swap3A_47 = vector.load %arg10[%swap3A, %swap3A_46] : memref<10000x256xf32, #tpu.memory_space<vmem>>, vector<10000x256xf32>
    tpu.vector_store %arg10[%swap3A, %swap3A_46], %max3A_45 {strides = array<i32>} : memref<10000x256xf32, #tpu.memory_space<vmem>>, vector<10000x256xf32>,
    return
  }
  func.func @transform_0(%arg0: i32) -> (i32, i32, i32) {
    %c0_i32 = arith.constant 0 : i32
    %c0_i32_0 = arith.constant 0 : i32
    %c0_i32_1 = arith.constant 0 : i32
    return %c0_i32, %arg0, %c0_i32_0 : i32, i32, i32
  }
  func.func @transform_1(%arg0: i32) -> (i32, i32, i32) {
    %c1_i32 = arith.constant 1 : i32
    %c0_i32 = arith.constant 0 : i32
    %c0_i32_0 = arith.constant 0 : i32
    return %c1_i32, %arg0, %c0_i32 : i32, i32, i32
  }
  func.func @transform_2(%arg0: i32) -> (i32, i32) {
    %c0_i32 = arith.constant 0 : i32
    %c0_i32_0 = arith.constant 0 : i32
    return %arg0, %c0_i32 : i32, i32
  }
  func.func @transform_3(%arg0: i32) -> (i32, i32) {
    %c0_i32 = arith.constant 0 : i32
    %c0_i32_0 = arith.constant 0 : i32
    %c0_i32_1 = arith.constant 0 : i32
    return %c0_i32, %c0_i32_0 : i32, i32
  }
  func.func @transform_4(%arg0: i32) -> (i32, i32) {
    %c0_i32 = arith.constant 0 : i32
    %c0_i32_0 = arith.constant 0 : i32
    %c0_i32_1 = arith.constant 0 : i32
    return %c0_i32, %c0_i32_0 : i32, i32
  }
  func.func @transform_5(%arg0: i32) -> (i32, i32) {
    %c0_i32 = arith.constant 0 : i32
    %c0_i32_0 = arith.constant 0 : i32
    %c0_i32_1 = arith.constant 0 : i32
    return %c0_i32, %c0_i32_0 : i32, i32
  }
  func.func @transform_6(%arg0: i32) -> (i32, i32) {
    %c0_i32 = arith.constant 0 : i32
    %c0_i32_0 = arith.constant 0 : i32
    %c0_i32_1 = arith.constant 0 : i32
    return %c0_i32, %c0_i32_0 : i32, i32
  }
  func.func @transform_7(%arg0: i32) -> (i32, i32) {
    %c0_i32 = arith.constant 0 : i32
    %c0_i32_0 = arith.constant 0 : i32
    %c0_i32_1 = arith.constant 0 : i32
    return %c0_i32, %c0_i32_0 : i32, i32
  }
  func.func @transform_8(%arg0: i32) -> (i32, i32) {
    %c0_i32 = arith.constant 0 : i32
    %c0_i32_0 = arith.constant 0 : i32
    %c0_i32_1 = arith.constant 0 : i32
    return %c0_i32, %c0_i32_0 : i32, i32
  }
  func.func @transform_9(%arg0: i32) -> (i32, i32) {
    %c0_i32 = arith.constant 0 : i32
    %c0_i32_0 = arith.constant 0 : i32
    return %arg0, %c0_i32 : i32, i32
  }
}

</mosaic_0001>

<sc_bundles>
// kernel: kernel.5.cloned.1.call-start
scs
__scs_entry_jumppad:
0x0: {  	(pc) =	sbr.rel $0x88, $3  }
0x1: {  	(tag) =	ssettag $0x0;
	lr =	simm.s32 $0x1  }
0x2: {  	[smem:$0x3F96] =	sst lr;
	_ =	strace $0xD0000000  }
0x3: {  	_ = 	snop  }
0x4: {  	_ = 	snop  }
0x5: {  	_ = 	snop  }
0x6: {  	_ = 	snop  }
0x7: {  	_ = 	snop  }
__scs_overlays_trampoline_lowered:
0x8: {  	[smem:$0x3FA5] =	sst s0  }
0x9: {  	[smem:$0x3FA6] =	sst s1  }
0xa: {  	[smem:$0x3FA7] =	sst s2  }
0xb: {  	[smem:$0x3FA8] =	sst s3  }
0xc: {  	[smem:$0x3FA9] =	sst s4  }
0xd: {  	[smem:$0x3FAA] =	sst s5  }
0xe: {  	[smem:$0x3FAB] =	sst s6  }
0xf: {  	[smem:$0x3FAC] =	sst s7  }
0x10: {  	[smem:$0x3FAD] =	sst s8  }
0x11: {  	[smem:$0x3FAE] =	sst s9;
	s0 =	simm.s32 @!p0 $0x0  }
0x12: {  	s1 =	sld [smem:$0x3F94];
	s0 =	simm.s32 @p0 $0x1  }
0x13: {  	[smem:$0x3FAF] =	sst s0;
	s0 =	simm.s32 @!p1 $0x0  }
0x14: {  	s2 =	sld [smem:$0x3F93];
	s0 =	simm.s32 @p1 $0x1  }
0x15: {  	[smem:$0x3FB0] =	sst s0;
	s0 =	simm.s32 @!p2 $0x0  }
0x16: {  	s3 =	sld [smem:$0x3FDB];
	s0 =	simm.s32 @p2 $0x1  }
0x17: {  	s4 =	simm.s32 $0x1BF5;
	[smem:$0x3FB2] =	sst s0  }
0x18: {  	s0 =	sld [smem:$0x3F95];
	_ =	swait.ge [sflag:s4], $0x0  }
0x19: {  	s7 =	sld [smem:$0x3F96]  }
0x1a: {  	s8 =	sadd.s32 $0xFFFFE003, lr  }
0x1b: {  	s9 =	sadd.s32 $0xFFFFFEF7, lr;
	s5 =	simm.s32 $0xFFFFFFFF;
	p2 =	slt.u32 s8, $0xFFFFF086  }
0x1c: {  	p1 =	slt.u32 s9, $0xF7A;
	s5 =	simm.s32 @!p2 $0x0  }
0x1d: {  	s5 =	simm.s32 @p1 $0x1;
	p0 =	seq.s32 s7, s2  }
0x1e: {  	s7 =	smul.u32 @!p0 $0xF7A, s2;
	p2 =	seq.s32 @!p0 s5, $0x0  }
0x1f: {  	s9 =	smul.u32 $0xF7A, s1;
	s8 =	simm.s32 @!p0 $0x1BF5;
	p2 =	por !p2, p0  }
0x20: {  	[sflag:s8] =	ssyncset.s32 @!p0 $0xFFFFF086;
	s6 =	sadd.s32 @!p0 s3, s7;
	s7 =	simm.s32 @!p0 $0x108  }
0x21: {  	s3 =	sadd.s32 s3, s9;
	s6 =	sadd.s32 @!p0 $0x88, s6;
	s7 =	simm.s32 @p2 $0x1082  }
0x22: {  	[simem:s7], [sflag:s8] =	dma.local @!p0 [hbm:s6], $0xF7A  }
0x23: {  	s9 =	sor.u32 $0xD0000000, s2;
	s6 =	simm.s32 $0x108;
	_ =	swait.ge @!p0 [sflag:s8], $0x0  }
0x24: {  	s3 =	sadd.s32 $0x88, s3;
	s6 =	simm.s32 @!p1 $0x1082;
	[sflag:s4] =	ssyncset.s32 $0xFFFFF086  }
0x25: {  	[simem:s6], [sflag:s4] =	dma.local [hbm:s3], $0xF7A  }
0x26: {  	[smem:$0x3F96] =	sst s1;
	(tag) =	ssettag s2;
	_ =	strace s9  }
0x27: {  	s1 =	sld [smem:$0x3FA6]  }
0x28: {  	s2 =	sld [smem:$0x3FA7]  }
0x29: {  	s4 =	sld [smem:$0x3FA9]  }
0x2a: {  	p0 =	seq.s32 s5, $0x0;
	s5 =	sld [smem:$0x3FAA]  }
0x2b: {  	s6 =	sld [smem:$0x3FAB]  }
0x2c: {  	s7 =	sld [smem:$0x3FAC]  }
0x2d: {  	s3 =	simm.s32 $0x108;
	s8 =	sld [smem:$0x3FAD]  }
0x2e: {  	s3 =	simm.s32 @!p0 $0x1082;
	s9 =	sld [smem:$0x3FAE]  }
0x2f: {  	lr =	sadd.s32 s0, s3;
	s0 =	sld [smem:$0x3FA5]  }
0x30: {  	s3 =	sld [smem:$0x3FA8]  }
0x31: {  	[smem:$0x3FB1] =	sst s10  }
0x32: {  	s10 =	sld [smem:$0x3FAF];
	_ =	sdelay $0x3  }
0x33: {  	p0 =	seq.s32 s10, $0x1;
	s10 =	sld [smem:$0x3FB1];
	_ =	sdelay $0x3  }
0x34: {  	[smem:$0x3FB1] =	sst s10  }
0x35: {  	s10 =	sld [smem:$0x3FB0];
	_ =	sdelay $0x3  }
0x36: {  	p1 =	seq.s32 s10, $0x1;
	s10 =	sld [smem:$0x3FB1];
	_ =	sdelay $0x3  }
0x37: {  	[smem:$0x3FB1] =	sst s10  }
0x38: {  	s10 =	sld [smem:$0x3FB2]  }
0x39: {  	_ = 	snop;
	(pc) =	sbr.ind lr, $3  }
0x3a: {  	_ = 	snop  }
0x3b: {  	_ = 	snop  }
0x3c: {  	p2 =	seq.s32 s10, $0x1;
	s10 =	sld [smem:$0x3FB1]  }
0x3d: {  	_ =	shalt  }
0x3e: {  	_ =	shalt  }
0x3f: {  	_ =	shalt  }
0x40: {  	_ =	shalt  }
0x41: {  	_ =	shalt  }
0x42: {  	_ =	shalt  }
0x43: {  	_ =	shalt  }
0x44: {  	_ =	shalt  }
0x45: {  	_ =	shalt  }
0x46: {  	_ =	shalt  }
0x47: {  	_ =	shalt  }
0x48: {  	_ =	shalt  }
0x49: {  	_ =	shalt  }
0x4a: {  	_ =	shalt  }
0x4b: {  	_ =	shalt  }
0x4c: {  	_ =	shalt  }
0x4d: {  	_ =	shalt  }
0x4e: {  	_ =	shalt  }
0x4f: {  	_ =	shalt  }
0x50: {  	_ =	shalt  }
0x51: {  	_ =	shalt  }
0x52: {  	_ =	shalt  }
0x53: {  	_ =	shalt  }
0x54: {  	_ =	shalt  }
0x55: {  	_ =	shalt  }
0x56: {  	_ =	shalt  }
0x57: {  	_ =	shalt  }
0x58: {  	_ =	shalt  }
0x59: {  	_ =	shalt  }
0x5a: {  	_ =	shalt  }
0x5b: {  	_ =	shalt  }
0x5c: {  	_ =	shalt  }
0x5d: {  	_ =	shalt  }
0x5e: {  	_ =	shalt  }
0x5f: {  	_ =	shalt  }
0x60: {  	_ =	shalt  }
0x61: {  	_ =	shalt  }
0x62: {  	_ =	shalt  }
0x63: {  	_ =	shalt  }
0x64: {  	_ =	shalt  }
0x65: {  	_ =	shalt  }
0x66: {  	_ =	shalt  }
0x67: {  	_ =	shalt  }
0x68: {  	_ =	shalt  }
0x69: {  	_ =	shalt  }
0x6a: {  	_ =	shalt  }
0x6b: {  	_ =	shalt  }
0x6c: {  	_ =	shalt  }
0x6d: {  	_ =	shalt  }
0x6e: {  	_ =	shalt  }
0x6f: {  	_ =	shalt  }
0x70: {  	_ =	shalt  }
0x71: {  	_ =	shalt  }
0x72: {  	_ =	shalt  }
0x73: {  	_ =	shalt  }
0x74: {  	_ =	shalt  }
0x75: {  	_ =	shalt  }
0x76: {  	_ =	shalt  }
0x77: {  	_ =	shalt  }
0x78: {  	_ =	shalt  }
0x79: {  	_ =	shalt  }
0x7a: {  	_ =	shalt  }
0x7b: {  	_ =	shalt  }
0x7c: {  	_ =	shalt  }
0x7d: {  	_ =	shalt  }
0x7e: {  	_ =	shalt  }
0x7f: {  	_ =	shalt  }
0x80: {  	_ =	shalt  }
0x81: {  	_ =	shalt  }
0x82: {  	_ =	shalt  }
0x83: {  	_ =	shalt  }
0x84: {  	_ =	shalt  }
0x85: {  	_ =	shalt  }
0x86: {  	_ =	shalt  }
0x87: {  	_ =	shalt  }
.Lfunc_end0:
.L_simem_size_0:
called_computation_lowered:
.L_overlay_start_0:
0x88: {  	s2 =	sld [smem:$0x3FD9]  }
0x89: {  	s3 =	sld [smem:$0x3FFE];
	_ =	sdelay $0x1  }
0x8a: {  	s1 =	srdreg.scid  }
0x8b: {  	s0 =	sand.u32 $0x1, s1  }
0x8c: {  	s17 =	sshll.u32 s0, $0xA;
	s2 =	sadd.s32 s3, s2  }
0x8d: {  	s2 =	sadd.s32 s2, s17  }
0x8e: {  	[smem:$0x3FBD] =	sst s2  }
0x8f: {  	_ = 	snop  }
0x90: {  	s2 =	sld [smem:$0x3FD0];
	(tm) =	ssettm $0x1  }
0x91: {  	s18 =	sld [smem:$0x3FFB];
	_ =	sdelay $0x3  }
0x92: {  	_ =	strace s18  }
0x93: {  	s3 =	sld [smem:$0x3FFC];
	_ =	sdelay $0x3  }
0x94: {  	_ =	strace s3  }
0x95: {  	s3 =	sld [smem:$0x3FFD];
	_ =	sdelay $0x3  }
0x96: {  	_ =	strace s3  }
0x97: {  	_ =	strace $0x8FFFFFFF  }
0x98: {  	s19 =	sld [smem:$0x3FDB];
	_ =	sdelay $0x1  }
0x99: {  	s4 =	simm.s32 $_scs_section_size  }
0x9a: {  	s5 =	simm.s32 $_size__tile_overlayer_lowered;
	s6 =	simm.s32 $_tile_overlayer_lowered  }
0x9b: {  	s22 =	simm.s32 $0x1BFF;
	s21 =	sshll.u32 s6, $0x1;
	s3 =	sadd.s32 s4, s19  }
0x9c: {  	s7 =	simm.s32 $0x0;
	s20 =	sshll.u32 s5, $0x1;
	s5 =	sadd.s32 s21, s3  }
0x9d: {  	[timem:s7], [sflag:s22] =	dma.local [hbm:s5], s20  }
0x9e: {  	_ =	swait.ge [sflag:s22], s20  }
0x9f: {  	s4 =	ssub.s32 $0x0, s20;
	[sflag:s22] =	ssyncset.done $0x0  }
0xa0: {  	[sflag:s22] =	ssyncadd.s32 s4;
	_ =	sdelay $0x1  }
0xa1: {  	s23 =	simm.s32 $0x1B8B  }
0xa2: {  	_ =	swait.ge [sflag:s23], $0x1  }
0xa3: {  	[sflag:s23] =	ssyncset.done $0x0  }
0xa4: {  	s25 =	simm.s32 $0x1B8E;
	s24 =	sld [smem:$0x3FFE];
	[sflag:s23] =	ssyncadd.s32 $0xFFFFFFFF  }
0xa5: {  	s26 =	simm.s32 $execute0_lowered;
	[smem:$0x3FD2] =	sst s25  }
0xa6: {  	s5 =	sshll.u32 s26, $0x1;
	_ =	strace $0x80000046;
	[dreg:$0x1] =	wrdreg $0xFFFFFFFF  }
0xa7: {  	s28 =	simm.s32 $_size_execute0_lowered;
	s3 =	sadd.s32 s3, s5;
	[dreg:$0x0] =	wrdreg $0x0  }
0xa8: {  	s5 =	sshll.u32 s28, $0x1;
	[dreg:$0x2] =	wrdreg s3  }
0xa9: {  	[dreg:$0x3] =	wrdreg s5  }
0xaa: {  	[dreg:$0x4] =	wrdreg $0xC0  }
0xab: {  	_ =	task [dreg:s7], $0x5FFFF  }
0xac: {  	[dreg:$0x1] =	wrdreg $0xFFFFFFFF  }
0xad: {  	[dreg:$0x0] =	wrdreg $0x60  }
0xae: {  	[dreg:$0x2] =	wrdreg s24  }
0xaf: {  	[dreg:$0x3] =	wrdreg s2  }
0xb0: {  	[dreg:$0x4] =	wrdreg $0x9F000  }
0xb1: {  	[dreg:$0x5] =	wrdreg $0x9  }
0xb2: {  	_ =	task.clear_ibuf [dreg:s7], $0x6FFFF;
	_ =	strace $0x90000046  }
0xb3: {  	s29 =	simm.s32 $0x9;
	_ =	strace $0x80000048  }
0xb4: {  	_ =	swait.ge [sflag:s29], $0x1  }
0xb5: {  	[sflag:s29] =	ssyncadd.s32 $0xFFFFFFFF  }
0xb6: {  	_ =	strace $0x90000048  }
0xb7: {  	_ =	sfence  }
0xb8: {  	s30 =	sld [smem:$0x0];
	_ =	sdelay $0x2  }
0xb9: {  	s31 =	sshll.u32 s1, $0xD;
	s1 =	sshrl.u32 s1, $0x2  }
0xba: {  	s3 =	sand.u32 $0x4000, s31;
	s1 =	sadd.s32 s1, s30  }
0xbb: {  	s0 =	sor.u32 s3, s0;
	s1 =	sshll.u32 s1, $0x11  }
0xbc: {  	s0 =	sor.u32 s1, s0  }
0xbd: {  	s0 =	sadd.s32 $0x8F2B, s0  }
0xbe: {  	[sflag:s0] =	ssyncadd.remote.s32 $0x1  }
0xbf: {  	_ =	sfence.sel $0xFFFF  }
0xc0: {  	[dreg:$0x0] =	wrdreg $0xFFFFFFFF;
	(pc) =	sbr.abs _section_cstart, $3  }
0xc1: {  	[dreg:$0x1] =	wrdreg $0xFFFFFFFF  }
0xc2: {  	_ =	task.clear_ibuf [dreg:s7], $0x2FFFF;
	_ =	strace $0x9FFFFFFF  }
0xc3: {  	(tm) =	ssettm $0x7FFFFFFF  }
tec
execute0_lowered:
.L_overlay_start_1:
0x0: {  	(tag) =	ssettag $0x1  }
0x1: {  	s0 =	rddreg [dreg:$0x0]  }
0x2: {  	s1 =	rddreg [dreg:$0x1]  }
0x3: {  	s2 =	rddreg [dreg:$0x2];
	s23 =	stileid.u32;
	s5 =	simm.s32 $0x0  }
0x4: {  	s26 =	srdreg.scid;
	s19 =	simm.s32 $0x80;
	s20 =	simm.s32 $0x400  }
0x5: {  	s21 =	simm.s32 $0x2780;
	s22 =	simm.s32 $0x3;
	s24 =	simm.s32 $0x50  }
0x6: {  	s28 =	simm.s32 $0x1;
	s29 =	simm.s32 $0x2;
	s3 =	sshrl.u32 s23, $0x3  }
0x7: {  	s4 =	sshll.u32 s23, $0x7;
	[smem:$0x7FF] =	sst s5;
	s6 =	smul.u32 $0x4E000, s23  }
0x8: {  	s16 =	sand.u32 $0x1, s26;
	s15 =	smul.u32 $0x13800, s23;
	p0 =	sne.s32 s23, $0xF  }
0x9: {  	s23 =	simm.s32 $0x4F00;
	s26 =	simm.s32 $0x7700;
	s3 =	smul.u32 $0x13C00, s3  }
0xa: {  	s4 =	sand.u32 $0x380, s4;
	s5 =	ssub.s32 $0x2, s16;
	s31 =	smul.u32 $0x138800, s16  }
0xb: {  	_ =	strace $0x80000047;
	s25 =	smul.u32 $0x27100, s16;
	s30 =	sshrl.u32 s5, $0x1  }
0xc: {  	s7 =	sshrl.u32 s6, $0x2;
	s3 =	sor.u32 s4, s3;
	s4 =	sadd.s32 $0xAC00, s0  }
0xd: {  	s7 =	sadd.s32 s7, s2;
	s17 =	sadd.s32 s15, s31;
	s15 =	sadd.s32 $0x138000, s2  }
0xe: {  	s3 =	sshrl.u32 s3, $0x3;
	s8 =	sadd.s32 $0x2800, s7;
	s9 =	sadd.s32 $0x5000, s7  }
0xf: {  	s10 =	sadd.s32 $0x7800, s7;
	s11 =	sadd.s32 $0xA000, s7;
	s12 =	sadd.s32 $0xC800, s7  }
0x10: {  	s13 =	sadd.s32 $0xF000, s7;
	s14 =	sadd.s32 $0x11800, s7;
	s17 =	sshrl.u32 s17, $0x3  }
0x11: {  	s0 =	sadd.s32 s3, s0;
	s3 =	ssub.s32 s5, s30;
	s16 =	sadd.s32 s1, s17  }
0x12: {  	s5 =	sadd.s32 $0x5C00, s0;
	s6 =	sadd.s32 $0xC00, s0;
	s0 =	sshrl.u32 s31, $0x3  }
0x13: {  	s18 =	smax.u32 s3, $0x1;
	s3 =	simm.s32 $0x26C0;
	s0 =	sadd.s32 s1, s0  }
0x14: {  	v1 =	vimm.f32 $0.0e+00;
	v0 =	vmov s25;
	s1 =	simm.s32 $0x0;
	s17 =	sadd.s32 $0x27000, s0;
	s0 =	simm.s32 $0x2670  }
.LBB2_1:
0x15: {  	[tilespmem:s21], [sflag:$0x3] =	stream.strided.gather [hbm4b:s5+s19], $0x2780, s20, s19, $0x38;
	[tilespmem:$0x1D780] =	vst v63  }
0x16: {  	_ =	swait.ge [sflag:s22], $0x2780  }
0x17: {  	[sflag:s22] =	ssyncset.done $0x0  }
0x18: {  	s25 =	simm.s32 $0x0;
	[sflag:s22] =	ssyncadd.s32 $0xFFFFD880  }
0x19: {  	[tilespmem:s25], [sflag:$0x3] =	stream.strided.gather [hbm4b:s6+s19], $0x2780, s20, s19, $0x38;
	[tilespmem:$0x1D780] =	vst v63  }
0x1a: {  	_ =	swait.ge [sflag:s22], $0x2780  }
0x1b: {  	[sflag:s22] =	ssyncset.done $0x0  }
0x1c: {  	s30 =	simm.s32 $0x3C0;
	s25 =	simm.s32 $0x70;
	[sflag:s22] =	ssyncadd.s32 $0xFFFFD880  }
.LBB2_2:
0x1d: {  	p1 =	sne.s32 s30, $0x9FC0;
	[tilespmem:s25+$0x4F00] =	vst v1  }
0x1e: {  	[tilespmem:s25+$0x4E90] =	vst v1  }
0x1f: {  	[tilespmem:s25+$0x4EA0] =	vst v1  }
.Ltmp0:
0x20: {  	[tilespmem:s25+$0x4EB0] =	vst v1;
	(pc) =	sbr.rel @p1 .LBB2_2-.Ltmp0, $4  }
0x21: {  	[tilespmem:s25+$0x4EC0] =	vst v1  }
0x22: {  	[tilespmem:s25+$0x4ED0] =	vst v1  }
0x23: {  	[tilespmem:s25+$0x4EE0] =	vst v1  }
0x24: {  	[tilespmem:s25+$0x4EF0] =	vst v1;
	s25 =	sshra.s32 s30, $0x2;
	s30 =	sadd.s32 $0x200, s30  }
0x25: {  	[tilespmem:s25+$0x4F00] =	vst v1  }
0x26: {  	[tilespmem:s25+$0x4E90] =	vst v1  }
0x27: {  	[tilespmem:s25+$0x4EA0] =	vst v1  }
0x28: {  	[tilespmem:s25+$0x4EB0] =	vst v1  }
0x29: {  	[tilespmem:s25+$0x4EC0] =	vst v1  }
0x2a: {  	[tilespmem:s25+$0x4ED0] =	vst v1  }
0x2b: {  	[tilespmem:s25+$0x4EE0] =	vst v1  }
0x2c: {  	[tilespmem:s25+$0x4EF0] =	vst v1  }
0x2d: {  	[spmem:s7] =	stream.linear.scatter [tilespmem:s23], [sflag:$0x3], $0x2800, $0x38;
	[tilespmem:$0x1D780] =	vst v63  }
0x2e: {  	_ =	swait.ge [sflag:s22], $0x2800  }
0x2f: {  	[sflag:s22] =	ssyncset.done $0x0  }
0x30: {  	[sflag:s22] =	ssyncadd.s32 $0xFFFFD800  }
0x31: {  	[spmem:s8] =	stream.linear.scatter [tilespmem:s23], [sflag:$0x3], $0x2800, $0x38;
	[tilespmem:$0x1D780] =	vst v63  }
0x32: {  	_ =	swait.ge [sflag:s22], $0x2800  }
0x33: {  	[sflag:s22] =	ssyncset.done $0x0  }
0x34: {  	[sflag:s22] =	ssyncadd.s32 $0xFFFFD800  }
0x35: {  	[spmem:s9] =	stream.linear.scatter [tilespmem:s23], [sflag:$0x3], $0x2800, $0x38;
	[tilespmem:$0x1D780] =	vst v63  }
0x36: {  	_ =	swait.ge [sflag:s22], $0x2800  }
0x37: {  	[sflag:s22] =	ssyncset.done $0x0  }
0x38: {  	[sflag:s22] =	ssyncadd.s32 $0xFFFFD800  }
0x39: {  	[spmem:s10] =	stream.linear.scatter [tilespmem:s23], [sflag:$0x3], $0x2800, $0x38;
	[tilespmem:$0x1D780] =	vst v63  }
0x3a: {  	_ =	swait.ge [sflag:s22], $0x2800  }
0x3b: {  	[sflag:s22] =	ssyncset.done $0x0  }
0x3c: {  	[sflag:s22] =	ssyncadd.s32 $0xFFFFD800  }
0x3d: {  	[spmem:s11] =	stream.linear.scatter [tilespmem:s23], [sflag:$0x3], $0x2800, $0x38;
	[tilespmem:$0x1D780] =	vst v63  }
0x3e: {  	_ =	swait.ge [sflag:s22], $0x2800  }
0x3f: {  	[sflag:s22] =	ssyncset.done $0x0  }
0x40: {  	[sflag:s22] =	ssyncadd.s32 $0xFFFFD800  }
0x41: {  	[spmem:s12] =	stream.linear.scatter [tilespmem:s23], [sflag:$0x3], $0x2800, $0x38;
	[tilespmem:$0x1D780] =	vst v63  }
0x42: {  	_ =	swait.ge [sflag:s22], $0x2800  }
0x43: {  	[sflag:s22] =	ssyncset.done $0x0  }
0x44: {  	[sflag:s22] =	ssyncadd.s32 $0xFFFFD800  }
0x45: {  	[spmem:s13] =	stream.linear.scatter [tilespmem:s23], [sflag:$0x3], $0x2800, $0x38;
	[tilespmem:$0x1D780] =	vst v63  }
0x46: {  	_ =	swait.ge [sflag:s22], $0x2800  }
0x47: {  	[sflag:s22] =	ssyncset.done $0x0  }
0x48: {  	[sflag:s22] =	ssyncadd.s32 $0xFFFFD800  }
0x49: {  	[spmem:s14] =	stream.linear.scatter [tilespmem:s23], [sflag:$0x3], $0x2000, $0x38;
	[tilespmem:$0x1D780] =	vst v63  }
0x4a: {  	_ =	swait.ge [sflag:s22], $0x2000  }
0x4b: {  	[sflag:s22] =	ssyncset.done $0x0  }
0x4c: {  	s25 =	simm.s32 @!p0 $0x4F00;
	[sflag:s22] =	ssyncadd.s32 $0xFFFFE000  }
0x4d: {  	[spmem:s15] =	stream.linear.scatter @!p0 [tilespmem:s25], [sflag:$0x3], $0x800, $0x38;
	[tilespmem:$0x1D780] =	vst v63  }
0x4e: {  	s25 =	simm.s32 @!p0 $0x3  }
0x4f: {  	_ =	swait.ge @!p0 [sflag:s25], $0x800  }
0x50: {  	[sflag:s25] =	ssyncset.done @!p0 $0x0  }
0x51: {  	s30 =	simm.s32 $0x40;
	[sflag:s25] =	ssyncadd.s32 @!p0 $0xFFFFF800;
	s25 =	simm.s32 $0x0  }
.LBB2_4:
0x52: {  	p1 =	sne.s32 s30, $0x9C00;
	v2 =	vld [tilespmem:s25+$0x2780];
	_ =	sdelay $0x1  }
.Ltmp1:
0x53: {  	(pc) =	sbr.rel @p1 .LBB2_4-.Ltmp1, $3  }
0x54: {  	_ =	sdelay $0x1  }
0x55: {  	v2 =	vadd.s32 v0, v2  }
0x56: {  	[tilespmem:s25+$0x2780] =	vst v2;
	s25 =	sshra.s32 s30, $0x2;
	s30 =	sadd.s32 $0x40, s30  }
0x57: {  	v2 =	vld [tilespmem:s25+$0x2780];
	_ =	sdelay $0x4  }
0x58: {  	v2 =	vadd.s32 v0, v2  }
0x59: {  	[tilespmem:s25+$0x2780] =	vst v2  }
0x5a: {  	[bflag:$0x0] =	sbarrier.arrive $0xFFFF  }
0x5b: {  	[tilespmem:s23], [sflag:$0x1] =	stream.indirect.gather [hbm4b:s4+s24], $0x80, s21, s24, $0xb8;
	[tilespmem:$0x1D780] =	vst v63  }
0x5c: {  	s31 =	simm.s32 $0x27D0  }
0x5d: {  	[tilespmem:s26], [sflag:$0x2] =	stream.indirect.gather [hbm4b:s4+s24], $0x80, s31, s24, $0xb8;
	[tilespmem:$0x1D780] =	vst v63  }
0x5e: {  	_ =	swait.ge [sflag:s28], $0x2800  }
0x5f: {  	[sflag:s28] =	ssyncset.done $0x0  }
0x60: {  	s31 =	simm.s32 $0x0;
	[sflag:s28] =	ssyncadd.s32 $0xFFFFD800  }
0x61: {  	[spmem:s2] =	stream.indirect.scatter.add.f32 [tilespmem:s23], [sflag:$0x3], $0x80, s31, s24, $0xb8;
	[tilespmem:$0x1D780] =	vst v63  }
0x62: {  	_ =	swait.ge [sflag:s22], $0x2800  }
0x63: {  	[sflag:s22] =	ssyncset.done $0x0  }
0x64: {  	s31 =	simm.s32 $0x2820;
	[sflag:s22] =	ssyncadd.s32 $0xFFFFD800  }
0x65: {  	[tilespmem:s23], [sflag:$0x1] =	stream.indirect.gather [hbm4b:s4+s24], $0x80, s31, s24, $0xb8;
	[tilespmem:$0x1D780] =	vst v63  }
0x66: {  	_ =	swait.ge [sflag:s29], $0x2800  }
0x67: {  	[sflag:s29] =	ssyncset.done $0x0  }
0x68: {  	s31 =	simm.s32 $0x50;
	[sflag:s29] =	ssyncadd.s32 $0xFFFFD800  }
0x69: {  	[spmem:s2] =	stream.indirect.scatter.add.f32 [tilespmem:s26], [sflag:$0x3], $0x80, s31, s24, $0xb8;
	[tilespmem:$0x1D780] =	vst v63  }
0x6a: {  	_ =	swait.ge [sflag:s22], $0x2800  }
0x6b: {  	[sflag:s22] =	ssyncset.done $0x0  }
0x6c: {  	s30 =	simm.s32 $0x2870;
	s25 =	simm.s32 $0x280;
	[sflag:s22] =	ssyncadd.s32 $0xFFFFD800  }
.LBB2_6:
0x6d: {  	[tilespmem:s26], [sflag:$0x2] =	stream.indirect.gather [hbm4b:s4+s24], $0x80, s30, s24, $0xb8;
	[tilespmem:$0x1D780] =	vst v63  }
0x6e: {  	s30 =	smov.u32 s25  }
0x6f: {  	p1 =	sne.s32 s25, $0x9600;
	s25 =	sadd.s32 $0x280, s25;
	_ =	swait.ge [sflag:s28], $0x2800  }
0x70: {  	[sflag:s28] =	ssyncset.done $0x0  }
0x71: {  	s30 =	sshra.s32 s30, $0x2;
	[sflag:s28] =	ssyncadd.s32 $0xFFFFD800  }
0x72: {  	[spmem:s2] =	stream.indirect.scatter.add.f32 [tilespmem:s23], [sflag:$0x3], $0x80, s30, s24, $0xb8;
	[tilespmem:$0x1D780] =	vst v63  }
0x73: {  	_ =	swait.ge [sflag:s22], $0x2800  }
0x74: {  	[sflag:s22] =	ssyncset.done $0x0  }
0x75: {  	s31 =	sadd.s32 $0x2820, s30;
	[sflag:s22] =	ssyncadd.s32 $0xFFFFD800  }
0x76: {  	[tilespmem:s23], [sflag:$0x1] =	stream.indirect.gather [hbm4b:s4+s24], $0x80, s31, s24, $0xb8;
	[tilespmem:$0x1D780] =	vst v63  }
0x77: {  	_ =	swait.ge [sflag:s29], $0x2800  }
0x78: {  	[sflag:s29] =	ssyncset.done $0x0  }
.Ltmp2:
0x79: {  	s31 =	sadd.s32 $0x50, s30;
	[sflag:s29] =	ssyncadd.s32 $0xFFFFD800;
	(pc) =	sbr.rel @p1 .LBB2_6-.Ltmp2, $4  }
0x7a: {  	[spmem:s2] =	stream.indirect.scatter.add.f32 [tilespmem:s26], [sflag:$0x3], $0x80, s31, s24, $0xb8;
	[tilespmem:$0x1D780] =	vst v63  }
0x7b: {  	_ =	swait.ge [sflag:s22], $0x2800  }
0x7c: {  	[sflag:s22] =	ssyncset.done $0x0  }
0x7d: {  	s30 =	sadd.s32 $0x2870, s30;
	[sflag:s22] =	ssyncadd.s32 $0xFFFFD800  }
0x7e: {  	[tilespmem:s26], [sflag:$0x2] =	stream.indirect.gather [hbm4b:s4+s24], $0x80, s30, s24, $0xb8;
	[tilespmem:$0x1D780] =	vst v63  }
0x7f: {  	_ =	swait.ge [sflag:s28], $0x2800  }
0x80: {  	[sflag:s28] =	ssyncset.done $0x0  }
0x81: {  	s25 =	simm.s32 $0x2620;
	[sflag:s28] =	ssyncadd.s32 $0xFFFFD800  }
0x82: {  	[spmem:s2] =	stream.indirect.scatter.add.f32 [tilespmem:s23], [sflag:$0x3], $0x80, s25, s24, $0xb8;
	[tilespmem:$0x1D780] =	vst v63  }
0x83: {  	_ =	swait.ge [sflag:s22], $0x2800  }
0x84: {  	[sflag:s22] =	ssyncset.done $0x0  }
0x85: {  	s31 =	simm.s32 $0x4E40;
	[sflag:s22] =	ssyncadd.s32 $0xFFFFD800  }
0x86: {  	[tilespmem:s23], [sflag:$0x1] =	stream.indirect.gather [hbm4b:s4+s24], $0x80, s31, s24, $0xb8;
	[tilespmem:$0x1D780] =	vst v63  }
0x87: {  	_ =	swait.ge [sflag:s29], $0x2800  }
0x88: {  	[sflag:s29] =	ssyncset.done $0x0  }
0x89: {  	[sflag:s29] =	ssyncadd.s32 $0xFFFFD800  }
0x8a: {  	[spmem:s2] =	stream.indirect.scatter.add.f32 [tilespmem:s26], [sflag:$0x3], $0x80, s0, s24, $0xb8;
	[tilespmem:$0x1D780] =	vst v63  }
0x8b: {  	_ =	swait.ge [sflag:s22], $0x2800  }
0x8c: {  	[sflag:s22] =	ssyncset.done $0x0  }
0x8d: {  	[sflag:s22] =	ssyncadd.s32 $0xFFFFD800  }
0x8e: {  	_ =	swait.ge [sflag:s28], $0x2800  }
0x8f: {  	[sflag:s28] =	ssyncset.done $0x0  }
0x90: {  	[sflag:s28] =	ssyncadd.s32 $0xFFFFD800  }
0x91: {  	[spmem:s2] =	stream.indirect.scatter.add.f32 [tilespmem:s23], [sflag:$0x3], $0x80, s3, s24, $0xb8;
	[tilespmem:$0x1D780] =	vst v63  }
0x92: {  	_ =	swait.ge [sflag:s22], $0x2800  }
0x93: {  	s30 =	stileid.u32;
	[sflag:s22] =	ssyncset.done $0x0  }
0x94: {  	s25 =	sshll.u32 s30, $0x6;
	[sflag:s22] =	ssyncadd.s32 $0xFFFFD800  }
0x95: {  	s25 =	sor.u32 $0x1C03, s25;
	s31 =	sshrl.u32 s7, $0x3;
	[bflag:$0x0] =	sbarrier.arrive $0xFFFF  }
0x96: {  	[hbm:s16], [sflag:s25] =	dma.local [spmem:s31], $0x2700  }
0x97: {  	_ =	swait.ge [sflag:s22], $0x2700  }
0x98: {  	s1 =	sadd.s32 $0x1, s1;
	[sflag:s22] =	ssyncset.done $0x0  }
0x99: {  	p1 =	sne.s32 s1, s18;
	s30 =	sshrl.u32 @!p0 s15, $0x3;
	[sflag:s22] =	ssyncadd.s32 $0xFFFFD900  }
0x9a: {  	[hbm:s17], [sflag:s25] =	dma.local @!p0 [spmem:s30], $0x100  }
.Ltmp3:
0x9b: {  	_ = 	snop;
	(pc) =	sbr.rel @p1 .LBB2_1-.Ltmp3, $4  }
0x9c: {  	s25 =	simm.s32 @!p0 $0x3  }
0x9d: {  	_ =	swait.ge @!p0 [sflag:s25], $0x100  }
0x9e: {  	[sflag:s25] =	ssyncset.done @!p0 $0x0  }
0x9f: {  	[sflag:s25] =	ssyncadd.s32 @!p0 $0xFFFFFF00  }
0xa0: {  	_ =	sfence.sel $0x180000  }
0xa1: {  	[bflag:$0x0] =	sbarrier.arrive $0xFFFF  }
0xa2: {  	_ =	strace $0x90000047  }
0xa3: {  	s0 =	stileid.u32;
	[bflag:$0x2] =	sbarrier.arrive $0xFFFF  }
0xa4: {  	p0 =	sne.s32 s0, $0x0;
	s0 =	rddreg [dreg:$0x3]  }
0xa5: {  	s0 =	sadd.s32 @!p0 $0x100000, s0  }
0xa6: {  	[sflag:s0] =	ssyncadd.tile.s32 @!p0 $0x1;
	_ =	shalt  }
.Lfunc_end2:
_tile_overlayer_lowered:
.L_overlay_start_2:
0xa7: {  	(tag) =	ssettag $0x2  }
0xa8: {  	s0 =	rddreg [dreg:$0x0];
	s2 =	stileid.u32  }
0xa9: {  	s1 =	rddreg [dreg:$0x1];
	p0 =	sne.s32 s2, $0x0  }
0xaa: {  	s3 =	rddreg [dreg:$0x2];
	[bflag:$0x3] =	sbarrier.arrive $0xFFFF;
	s2 =	simm.s32 @!p0 $0x1C03  }
0xab: {  	[timem:s3], [sflag:s2] =	dma.local @!p0 [hbm:s0], s1  }
0xac: {  	s0 =	simm.s32 @!p0 $0x3  }
0xad: {  	_ =	swait.ge @!p0 [sflag:s0], s1  }
0xae: {  	s1 =	ssub.s32 @!p0 $0x0, s1;
	[sflag:s0] =	ssyncset.done @!p0 $0x0  }
0xaf: {  	[sflag:s0] =	ssyncadd.s32 @!p0 s1  }
0xb0: {  	[bflag:$0x3] =	sbarrier.arrive $0xFFFF  }
0xb1: {  	_ =	shalt  }

</sc_bundles>
